<compile_context>
chip_gen: v7x
topology: tpu7x:2x2x1
jax: 0.10.2.dev20260603
libtpu: 0.0.44.dev20260713+nightly
codegen_flags: <defaults>
</compile_context>

<pallas_src>
import functools

import jax
import jax.numpy as jnp
from jax import lax
from jax.experimental import pallas as pl
from jax.experimental.pallas import tpu as pltpu
from jax.experimental.pallas import tpu_sc as plsc

_INFO = plsc.get_sparse_core_info()
_NC = _INFO.num_cores
_NS = _INFO.num_subcores
_L = _INFO.num_lanes
_NW = 1 * _NS

_B = 16384
_BPW = _B // _NW

_MESH = plsc.VectorSubcoreMesh(
    core_axis_name="c", subcore_axis_name="s", num_cores=1
)


@functools.partial(
    pl.kernel,
    mesh=_MESH,
    out_type=jax.ShapeDtypeStruct((_B,), jnp.int32),
    scratch_types=[pltpu.VMEM((_BPW,), jnp.int32)],
    compiler_params=pltpu.CompilerParams(
        disable_bounds_checks=True,
        skip_device_barrier=True,
    ),
)
def _lookup(word_hbm, out_hbm, buf):
    wid = lax.axis_index("s") + lax.axis_index("c") * _NS
    base = wid * _BPW
    pltpu.sync_copy(word_hbm.at[pl.ds(base, _BPW)], buf)
    for i in range(_BPW // _L):
        w = buf[pl.ds(i * _L, _L)]
        hit = (w >= 0) & (w < 3)
        buf[pl.ds(i * _L, _L)] = jnp.where(hit, w + 1, jnp.int32(-1))
    pltpu.sync_copy(buf, out_hbm.at[pl.ds(base, _BPW)])


def kernel(word):
    return _lookup(word)

# --- scband reference (transcript-rebuilt; emitter-appended) ---
"""Pipeline reference for scband-my-model-87522843560209 (READ-ONLY COPY).

The authoritative reference and input builder live on the scoring server;
editing this copy changes nothing except your own understanding.
"""

import jax, jax.numpy as jnp
import numpy as np

# The original keras model maps the strings ['testing','this','thing'] -> [1,2,3]
# via tf.lookup.StaticHashTable with default_value=-1. JAX has no string dtype,
# so words are represented as integer token ids; the three table keys are the
# ids 0, 1, 2 (standing for 'testing', 'this', 'thing'). Any other id maps to -1.

TABLE_KEYS = jnp.array([0, 1, 2], dtype=jnp.int32)
TABLE_VALUES = jnp.array([1, 2, 3], dtype=jnp.int32)
DEFAULT_VALUE = jnp.int32(-1)


def setup_inputs(seed: int = 0) -> dict:
    key = jax.random.key(seed)
    # word ids drawn from [0, 8): ids 0..2 hit the table, 3..7 fall through to default
    word = jax.random.randint(key, (16384,), 0, 8, dtype=jnp.int32)
    return {"word": word}


def reference(word):
    # StaticHashTable.lookup: exact-match against the key set, default -1 on miss
    matches = word[:, None] == TABLE_KEYS[None, :]          # [B, 3]
    found = jnp.any(matches, axis=-1)                        # [B]
    idx = jnp.argmax(matches, axis=-1)                       # [B] (valid only where found)
    vals = jnp.take(TABLE_VALUES, idx, axis=0)               # gather from value table
    return jnp.where(found, vals, DEFAULT_VALUE)

if __name__ == "__main__":
    import jax
    _d = setup_inputs()
    print(jax.jit(kernel)(*tuple(_d.values())))

</pallas_src>

<mosaic_0001>
#map = affine_map<(d0, d1) -> (0)>
module attributes {stable_mosaic.version = 14 : i64} {
  func.func @_lookup(%arg0: i32, %arg1: i32, %arg2: memref<16384xi32, #tpu.memory_space<hbm>>, %arg3: memref<16384xi32, #tpu.memory_space<hbm>>, %arg4: memref<1024xi32, #tpu.memory_space<vmem>>) attributes {dimension_semantics = [#tpu.dimension_semantics<core_parallel>, #tpu.dimension_semantics<subcore_parallel>], iteration_bounds = array<i64: 1, 16>, scalar_prefetch = 0 : i64, scratch_operands = 1 : i64, tpu.core_type = #tpu.core_type<sc_vector_subcore>, window_params = [{transform_indices = #map}, {transform_indices = #map}]} {
    %mul3A = arith.constant 16 : i32
    %mul3A_0 = arith.muli %arg0, %mul3A : i32
    %add3A = arith.addi %arg1, %mul3A_0 : i32
    %mul3A_1 = arith.constant 1024 : i32
    %mul3A_2 = arith.muli %add3A, %mul3A_1 : i32
    "tpu.region"() ({
      %run_scoped3A = tpu.sem_alloc : memref<!tpu.dma_semaphore, #tpu.memory_space<semaphore_mem>>
      %dma_start3A = tpu.memref_slice %arg2[%mul3A_2] : memref<16384xi32, #tpu.memory_space<hbm>> -> memref<1024xi32, #tpu.memory_space<hbm>>
      %dma_start3A_1275 = tpu.memref_slice %arg2[%mul3A_2] : memref<16384xi32, #tpu.memory_space<hbm>> -> memref<1024xi32, #tpu.memory_space<hbm>>
      tpu.enqueue_dma source(%dma_start3A_1275 : memref<1024xi32, #tpu.memory_space<hbm>>) target(%arg4 : memref<1024xi32, #tpu.memory_space<vmem>>) target_semaphore(%run_scoped3A : memref<!tpu.dma_semaphore, #tpu.memory_space<semaphore_mem>>)
      %dma_wait3A = tpu.memref_slice %arg2[%mul3A_2] : memref<16384xi32, #tpu.memory_space<hbm>> -> memref<1024xi32, #tpu.memory_space<hbm>>
      %dma_wait3A_1276 = tpu.memref_slice %arg2[%mul3A_2] : memref<16384xi32, #tpu.memory_space<hbm>> -> memref<1024xi32, #tpu.memory_space<hbm>>
      tpu.wait_dma2 semaphore(%run_scoped3A : memref<!tpu.dma_semaphore, #tpu.memory_space<semaphore_mem>>) src(%dma_wait3A_1276 : memref<1024xi32, #tpu.memory_space<hbm>>) dst(%arg4 : memref<1024xi32, #tpu.memory_space<vmem>>)
      tpu.yield
    }) : () -> ()
    %get3A = arith.constant 0 : index
    %get3A_3 = tpu.vector_load %arg4[%get3A] {strides = array<i32>} : memref<1024xi32, #tpu.memory_space<vmem>>, vector<16xi32>,
    %get3A_4 = vector.shape_cast %get3A_3 : vector<16xi32> to vector<16xi32>
    %ge3A = arith.constant 0 : i32
    %ge3A_5 = vector.broadcast %ge3A : i32 to vector<16xi32>
    %ge3A_6 = arith.cmpi sge, %get3A_4, %ge3A_5 : vector<16xi32>
    %lt3A = arith.constant 3 : i32
    %lt3A_7 = vector.broadcast %lt3A : i32 to vector<16xi32>
    %lt3A_8 = arith.cmpi slt, %get3A_4, %lt3A_7 : vector<16xi32>
    %and3A = arith.andi %ge3A_6, %lt3A_8 : vector<16xi1>
    %add3A_9 = arith.constant 1 : i32
    %add3A_10 = vector.broadcast %add3A_9 : i32 to vector<16xi32>
    %add3A_11 = arith.addi %get3A_4, %add3A_10 : vector<16xi32>
    %jit3A = arith.constant -1 : i32
    %broadcast_in_dim3A = vector.broadcast %jit3A : i32 to vector<16xi32>
    %select_n3A = arith.select %and3A, %add3A_11, %broadcast_in_dim3A : vector<16xi1>, vector<16xi32>
    %swap3A = arith.constant 0 : index
    %swap3A_12 = tpu.vector_load %arg4[%swap3A] {strides = array<i32>} : memref<1024xi32, #tpu.memory_space<vmem>>, vector<16xi32>,
    %swap3A_13 = vector.shape_cast %swap3A_12 : vector<16xi32> to vector<16xi32>
    %swap3A_14 = vector.shape_cast %select_n3A : vector<16xi32> to vector<16xi32>
    tpu.vector_store %arg4[%swap3A], %swap3A_14 {strides = array<i32>} : memref<1024xi32, #tpu.memory_space<vmem>>, vector<16xi32>,
    %get3A_15 = arith.constant 16 : index
    %get3A_16 = tpu.vector_load %arg4[%get3A_15] {strides = array<i32>} : memref<1024xi32, #tpu.memory_space<vmem>>, vector<16xi32>,
    %get3A_17 = vector.shape_cast %get3A_16 : vector<16xi32> to vector<16xi32>
    %ge3A_18 = arith.constant 0 : i32
    %ge3A_19 = vector.broadcast %ge3A_18 : i32 to vector<16xi32>
    %ge3A_20 = arith.cmpi sge, %get3A_17, %ge3A_19 : vector<16xi32>
    %lt3A_21 = arith.constant 3 : i32
    %lt3A_22 = vector.broadcast %lt3A_21 : i32 to vector<16xi32>
    %lt3A_23 = arith.cmpi slt, %get3A_17, %lt3A_22 : vector<16xi32>
    %and3A_24 = arith.andi %ge3A_20, %lt3A_23 : vector<16xi1>
    %add3A_25 = arith.constant 1 : i32
    %add3A_26 = vector.broadcast %add3A_25 : i32 to vector<16xi32>
    %add3A_27 = arith.addi %get3A_17, %add3A_26 : vector<16xi32>
    %jit3A_28 = arith.constant -1 : i32
    %broadcast_in_dim3A_29 = vector.broadcast %jit3A_28 : i32 to vector<16xi32>
    %select_n3A_30 = arith.select %and3A_24, %add3A_27, %broadcast_in_dim3A_29 : vector<16xi1>, vector<16xi32>
    %swap3A_31 = arith.constant 16 : index
    %swap3A_32 = tpu.vector_load %arg4[%swap3A_31] {strides = array<i32>} : memref<1024xi32, #tpu.memory_space<vmem>>, vector<16xi32>,
    %swap3A_33 = vector.shape_cast %swap3A_32 : vector<16xi32> to vector<16xi32>
    %swap3A_34 = vector.shape_cast %select_n3A_30 : vector<16xi32> to vector<16xi32>
    tpu.vector_store %arg4[%swap3A_31], %swap3A_34 {strides = array<i32>} : memref<1024xi32, #tpu.memory_space<vmem>>, vector<16xi32>,
    %get3A_35 = arith.constant 32 : index
    %get3A_36 = tpu.vector_load %arg4[%get3A_35] {strides = array<i32>} : memref<1024xi32, #tpu.memory_space<vmem>>, vector<16xi32>,
    %get3A_37 = vector.shape_cast %get3A_36 : vector<16xi32> to vector<16xi32>
    %ge3A_38 = arith.constant 0 : i32
    %ge3A_39 = vector.broadcast %ge3A_38 : i32 to vector<16xi32>
    %ge3A_40 = arith.cmpi sge, %get3A_37, %ge3A_39 : vector<16xi32>
    %lt3A_41 = arith.constant 3 : i32
    %lt3A_42 = vector.broadcast %lt3A_41 : i32 to vector<16xi32>
    %lt3A_43 = arith.cmpi slt, %get3A_37, %lt3A_42 : vector<16xi32>
    %and3A_44 = arith.andi %ge3A_40, %lt3A_43 : vector<16xi1>
    %add3A_45 = arith.constant 1 : i32
    %add3A_46 = vector.broadcast %add3A_45 : i32 to vector<16xi32>
    %add3A_47 = arith.addi %get3A_37, %add3A_46 : vector<16xi32>
    %jit3A_48 = arith.constant -1 : i32
    %broadcast_in_dim3A_49 = vector.broadcast %jit3A_48 : i32 to vector<16xi32>
    %select_n3A_50 = arith.select %and3A_44, %add3A_47, %broadcast_in_dim3A_49 : vector<16xi1>, vector<16xi32>
    %swap3A_51 = arith.constant 32 : index
    %swap3A_52 = tpu.vector_load %arg4[%swap3A_51] {strides = array<i32>} : memref<1024xi32, #tpu.memory_space<vmem>>, vector<16xi32>,
    %swap3A_53 = vector.shape_cast %swap3A_52 : vector<16xi32> to vector<16xi32>
    %swap3A_54 = vector.shape_cast %select_n3A_50 : vector<16xi32> to vector<16xi32>
    tpu.vector_store %arg4[%swap3A_51], %swap3A_54 {strides = array<i32>} : memref<1024xi32, #tpu.memory_space<vmem>>, vector<16xi32>,
    %get3A_55 = arith.constant 48 : index
    %get3A_56 = tpu.vector_load %arg4[%get3A_55] {strides = array<i32>} : memref<1024xi32, #tpu.memory_space<vmem>>, vector<16xi32>,
    %get3A_57 = vector.shape_cast %get3A_56 : vector<16xi32> to vector<16xi32>
    %ge3A_58 = arith.constant 0 : i32
    %ge3A_59 = vector.broadcast %ge3A_58 : i32 to vector<16xi32>
    %ge3A_60 = arith.cmpi sge, %get3A_57, %ge3A_59 : vector<16xi32>
    %lt3A_61 = arith.constant 3 : i32
    %lt3A_62 = vector.broadcast %lt3A_61 : i32 to vector<16xi32>
    %lt3A_63 = arith.cmpi slt, %get3A_57, %lt3A_62 : vector<16xi32>
    %and3A_64 = arith.andi %ge3A_60, %lt3A_63 : vector<16xi1>
    %add3A_65 = arith.constant 1 : i32
    %add3A_66 = vector.broadcast %add3A_65 : i32 to vector<16xi32>
    %add3A_67 = arith.addi %get3A_57, %add3A_66 : vector<16xi32>
    %jit3A_68 = arith.constant -1 : i32
    %broadcast_in_dim3A_69 = vector.broadcast %jit3A_68 : i32 to vector<16xi32>
    %select_n3A_70 = arith.select %and3A_64, %add3A_67, %broadcast_in_dim3A_69 : vector<16xi1>, vector<16xi32>
    %swap3A_71 = arith.constant 48 : index
    %swap3A_72 = tpu.vector_load %arg4[%swap3A_71] {strides = array<i32>} : memref<1024xi32, #tpu.memory_space<vmem>>, vector<16xi32>,
    %swap3A_73 = vector.shape_cast %swap3A_72 : vector<16xi32> to vector<16xi32>
    %swap3A_74 = vector.shape_cast %select_n3A_70 : vector<16xi32> to vector<16xi32>
    tpu.vector_store %arg4[%swap3A_71], %swap3A_74 {strides = array<i32>} : memref<1024xi32, #tpu.memory_space<vmem>>, vector<16xi32>,
    %get3A_75 = arith.constant 64 : index
    %get3A_76 = tpu.vector_load %arg4[%get3A_75] {strides = array<i32>} : memref<1024xi32, #tpu.memory_space<vmem>>, vector<16xi32>,
    %get3A_77 = vector.shape_cast %get3A_76 : vector<16xi32> to vector<16xi32>
    %ge3A_78 = arith.constant 0 : i32
    %ge3A_79 = vector.broadcast %ge3A_78 : i32 to vector<16xi32>
    %ge3A_80 = arith.cmpi sge, %get3A_77, %ge3A_79 : vector<16xi32>
    %lt3A_81 = arith.constant 3 : i32
    %lt3A_82 = vector.broadcast %lt3A_81 : i32 to vector<16xi32>
    %lt3A_83 = arith.cmpi slt, %get3A_77, %lt3A_82 : vector<16xi32>
    %and3A_84 = arith.andi %ge3A_80, %lt3A_83 : vector<16xi1>
    %add3A_85 = arith.constant 1 : i32
    %add3A_86 = vector.broadcast %add3A_85 : i32 to vector<16xi32>
    %add3A_87 = arith.addi %get3A_77, %add3A_86 : vector<16xi32>
    %jit3A_88 = arith.constant -1 : i32
    %broadcast_in_dim3A_89 = vector.broadcast %jit3A_88 : i32 to vector<16xi32>
    %select_n3A_90 = arith.select %and3A_84, %add3A_87, %broadcast_in_dim3A_89 : vector<16xi1>, vector<16xi32>
    %swap3A_91 = arith.constant 64 : index
    %swap3A_92 = tpu.vector_load %arg4[%swap3A_91] {strides = array<i32>} : memref<1024xi32, #tpu.memory_space<vmem>>, vector<16xi32>,
    %swap3A_93 = vector.shape_cast %swap3A_92 : vector<16xi32> to vector<16xi32>
    %swap3A_94 = vector.shape_cast %select_n3A_90 : vector<16xi32> to vector<16xi32>
    tpu.vector_store %arg4[%swap3A_91], %swap3A_94 {strides = array<i32>} : memref<1024xi32, #tpu.memory_space<vmem>>, vector<16xi32>,
    %get3A_95 = arith.constant 80 : index
    %get3A_96 = tpu.vector_load %arg4[%get3A_95] {strides = array<i32>} : memref<1024xi32, #tpu.memory_space<vmem>>, vector<16xi32>,
    %get3A_97 = vector.shape_cast %get3A_96 : vector<16xi32> to vector<16xi32>
    %ge3A_98 = arith.constant 0 : i32
    %ge3A_99 = vector.broadcast %ge3A_98 : i32 to vector<16xi32>
    %ge3A_100 = arith.cmpi sge, %get3A_97, %ge3A_99 : vector<16xi32>
    %lt3A_101 = arith.constant 3 : i32
    %lt3A_102 = vector.broadcast %lt3A_101 : i32 to vector<16xi32>
    %lt3A_103 = arith.cmpi slt, %get3A_97, %lt3A_102 : vector<16xi32>
    %and3A_104 = arith.andi %ge3A_100, %lt3A_103 : vector<16xi1>
    %add3A_105 = arith.constant 1 : i32
    %add3A_106 = vector.broadcast %add3A_105 : i32 to vector<16xi32>
    %add3A_107 = arith.addi %get3A_97, %add3A_106 : vector<16xi32>
    %jit3A_108 = arith.constant -1 : i32
    %broadcast_in_dim3A_109 = vector.broadcast %jit3A_108 : i32 to vector<16xi32>
    %select_n3A_110 = arith.select %and3A_104, %add3A_107, %broadcast_in_dim3A_109 : vector<16xi1>, vector<16xi32>
    %swap3A_111 = arith.constant 80 : index
    %swap3A_112 = tpu.vector_load %arg4[%swap3A_111] {strides = array<i32>} : memref<1024xi32, #tpu.memory_space<vmem>>, vector<16xi32>,
    %swap3A_113 = vector.shape_cast %swap3A_112 : vector<16xi32> to vector<16xi32>
    %swap3A_114 = vector.shape_cast %select_n3A_110 : vector<16xi32> to vector<16xi32>
    tpu.vector_store %arg4[%swap3A_111], %swap3A_114 {strides = array<i32>} : memref<1024xi32, #tpu.memory_space<vmem>>, vector<16xi32>,
    %get3A_115 = arith.constant 96 : index
    %get3A_116 = tpu.vector_load %arg4[%get3A_115] {strides = array<i32>} : memref<1024xi32, #tpu.memory_space<vmem>>, vector<16xi32>,
    %get3A_117 = vector.shape_cast %get3A_116 : vector<16xi32> to vector<16xi32>
    %ge3A_118 = arith.constant 0 : i32
    %ge3A_119 = vector.broadcast %ge3A_118 : i32 to vector<16xi32>
    %ge3A_120 = arith.cmpi sge, %get3A_117, %ge3A_119 : vector<16xi32>
    %lt3A_121 = arith.constant 3 : i32
    %lt3A_122 = vector.broadcast %lt3A_121 : i32 to vector<16xi32>
    %lt3A_123 = arith.cmpi slt, %get3A_117, %lt3A_122 : vector<16xi32>
    %and3A_124 = arith.andi %ge3A_120, %lt3A_123 : vector<16xi1>
    %add3A_125 = arith.constant 1 : i32
    %add3A_126 = vector.broadcast %add3A_125 : i32 to vector<16xi32>
    %add3A_127 = arith.addi %get3A_117, %add3A_126 : vector<16xi32>
    %jit3A_128 = arith.constant -1 : i32
    %broadcast_in_dim3A_129 = vector.broadcast %jit3A_128 : i32 to vector<16xi32>
    %select_n3A_130 = arith.select %and3A_124, %add3A_127, %broadcast_in_dim3A_129 : vector<16xi1>, vector<16xi32>
    %swap3A_131 = arith.constant 96 : index
    %swap3A_132 = tpu.vector_load %arg4[%swap3A_131] {strides = array<i32>} : memref<1024xi32, #tpu.memory_space<vmem>>, vector<16xi32>,
    %swap3A_133 = vector.shape_cast %swap3A_132 : vector<16xi32> to vector<16xi32>
    %swap3A_134 = vector.shape_cast %select_n3A_130 : vector<16xi32> to vector<16xi32>
    tpu.vector_store %arg4[%swap3A_131], %swap3A_134 {strides = array<i32>} : memref<1024xi32, #tpu.memory_space<vmem>>, vector<16xi32>,
    %get3A_135 = arith.constant 112 : index
    %get3A_136 = tpu.vector_load %arg4[%get3A_135] {strides = array<i32>} : memref<1024xi32, #tpu.memory_space<vmem>>, vector<16xi32>,
    %get3A_137 = vector.shape_cast %get3A_136 : vector<16xi32> to vector<16xi32>
    %ge3A_138 = arith.constant 0 : i32
    %ge3A_139 = vector.broadcast %ge3A_138 : i32 to vector<16xi32>
    %ge3A_140 = arith.cmpi sge, %get3A_137, %ge3A_139 : vector<16xi32>
    %lt3A_141 = arith.constant 3 : i32
    %lt3A_142 = vector.broadcast %lt3A_141 : i32 to vector<16xi32>
    %lt3A_143 = arith.cmpi slt, %get3A_137, %lt3A_142 : vector<16xi32>
    %and3A_144 = arith.andi %ge3A_140, %lt3A_143 : vector<16xi1>
    %add3A_145 = arith.constant 1 : i32
    %add3A_146 = vector.broadcast %add3A_145 : i32 to vector<16xi32>
    %add3A_147 = arith.addi %get3A_137, %add3A_146 : vector<16xi32>
    %jit3A_148 = arith.constant -1 : i32
    %broadcast_in_dim3A_149 = vector.broadcast %jit3A_148 : i32 to vector<16xi32>
    %select_n3A_150 = arith.select %and3A_144, %add3A_147, %broadcast_in_dim3A_149 : vector<16xi1>, vector<16xi32>
    %swap3A_151 = arith.constant 112 : index
    %swap3A_152 = tpu.vector_load %arg4[%swap3A_151] {strides = array<i32>} : memref<1024xi32, #tpu.memory_space<vmem>>, vector<16xi32>,
    %swap3A_153 = vector.shape_cast %swap3A_152 : vector<16xi32> to vector<16xi32>
    %swap3A_154 = vector.shape_cast %select_n3A_150 : vector<16xi32> to vector<16xi32>
    tpu.vector_store %arg4[%swap3A_151], %swap3A_154 {strides = array<i32>} : memref<1024xi32, #tpu.memory_space<vmem>>, vector<16xi32>,
    %get3A_155 = arith.constant 128 : index
    %get3A_156 = tpu.vector_load %arg4[%get3A_155] {strides = array<i32>} : memref<1024xi32, #tpu.memory_space<vmem>>, vector<16xi32>,
    %get3A_157 = vector.shape_cast %get3A_156 : vector<16xi32> to vector<16xi32>
    %ge3A_158 = arith.constant 0 : i32
    %ge3A_159 = vector.broadcast %ge3A_158 : i32 to vector<16xi32>
    %ge3A_160 = arith.cmpi sge, %get3A_157, %ge3A_159 : vector<16xi32>
    %lt3A_161 = arith.constant 3 : i32
    %lt3A_162 = vector.broadcast %lt3A_161 : i32 to vector<16xi32>
    %lt3A_163 = arith.cmpi slt, %get3A_157, %lt3A_162 : vector<16xi32>
    %and3A_164 = arith.andi %ge3A_160, %lt3A_163 : vector<16xi1>
    %add3A_165 = arith.constant 1 : i32
    %add3A_166 = vector.broadcast %add3A_165 : i32 to vector<16xi32>
    %add3A_167 = arith.addi %get3A_157, %add3A_166 : vector<16xi32>
    %jit3A_168 = arith.constant -1 : i32
    %broadcast_in_dim3A_169 = vector.broadcast %jit3A_168 : i32 to vector<16xi32>
    %select_n3A_170 = arith.select %and3A_164, %add3A_167, %broadcast_in_dim3A_169 : vector<16xi1>, vector<16xi32>
    %swap3A_171 = arith.constant 128 : index
    %swap3A_172 = tpu.vector_load %arg4[%swap3A_171] {strides = array<i32>} : memref<1024xi32, #tpu.memory_space<vmem>>, vector<16xi32>,
    %swap3A_173 = vector.shape_cast %swap3A_172 : vector<16xi32> to vector<16xi32>
    %swap3A_174 = vector.shape_cast %select_n3A_170 : vector<16xi32> to vector<16xi32>
    tpu.vector_store %arg4[%swap3A_171], %swap3A_174 {strides = array<i32>} : memref<1024xi32, #tpu.memory_space<vmem>>, vector<16xi32>,
    %get3A_175 = arith.constant 144 : index
    %get3A_176 = tpu.vector_load %arg4[%get3A_175] {strides = array<i32>} : memref<1024xi32, #tpu.memory_space<vmem>>, vector<16xi32>,
    %get3A_177 = vector.shape_cast %get3A_176 : vector<16xi32> to vector<16xi32>
    %ge3A_178 = arith.constant 0 : i32
    %ge3A_179 = vector.broadcast %ge3A_178 : i32 to vector<16xi32>
    %ge3A_180 = arith.cmpi sge, %get3A_177, %ge3A_179 : vector<16xi32>
    %lt3A_181 = arith.constant 3 : i32
    %lt3A_182 = vector.broadcast %lt3A_181 : i32 to vector<16xi32>
    %lt3A_183 = arith.cmpi slt, %get3A_177, %lt3A_182 : vector<16xi32>
    %and3A_184 = arith.andi %ge3A_180, %lt3A_183 : vector<16xi1>
    %add3A_185 = arith.constant 1 : i32
    %add3A_186 = vector.broadcast %add3A_185 : i32 to vector<16xi32>
    %add3A_187 = arith.addi %get3A_177, %add3A_186 : vector<16xi32>
    %jit3A_188 = arith.constant -1 : i32
    %broadcast_in_dim3A_189 = vector.broadcast %jit3A_188 : i32 to vector<16xi32>
    %select_n3A_190 = arith.select %and3A_184, %add3A_187, %broadcast_in_dim3A_189 : vector<16xi1>, vector<16xi32>
    %swap3A_191 = arith.constant 144 : index
    %swap3A_192 = tpu.vector_load %arg4[%swap3A_191] {strides = array<i32>} : memref<1024xi32, #tpu.memory_space<vmem>>, vector<16xi32>,
    %swap3A_193 = vector.shape_cast %swap3A_192 : vector<16xi32> to vector<16xi32>
    %swap3A_194 = vector.shape_cast %select_n3A_190 : vector<16xi32> to vector<16xi32>
    tpu.vector_store %arg4[%swap3A_191], %swap3A_194 {strides = array<i32>} : memref<1024xi32, #tpu.memory_space<vmem>>, vector<16xi32>,
    %get3A_195 = arith.constant 160 : index
    %get3A_196 = tpu.vector_load %arg4[%get3A_195] {strides = array<i32>} : memref<1024xi32, #tpu.memory_space<vmem>>, vector<16xi32>,
    %get3A_197 = vector.shape_cast %get3A_196 : vector<16xi32> to vector<16xi32>
    %ge3A_198 = arith.constant 0 : i32
    %ge3A_199 = vector.broadcast %ge3A_198 : i32 to vector<16xi32>
    %ge3A_200 = arith.cmpi sge, %get3A_197, %ge3A_199 : vector<16xi32>
    %lt3A_201 = arith.constant 3 : i32
    %lt3A_202 = vector.broadcast %lt3A_201 : i32 to vector<16xi32>
    %lt3A_203 = arith.cmpi slt, %get3A_197, %lt3A_202 : vector<16xi32>
    %and3A_204 = arith.andi %ge3A_200, %lt3A_203 : vector<16xi1>
    %add3A_205 = arith.constant 1 : i32
    %add3A_206 = vector.broadcast %add3A_205 : i32 to vector<16xi32>
    %add3A_207 = arith.addi %get3A_197, %add3A_206 : vector<16xi32>
    %jit3A_208 = arith.constant -1 : i32
    %broadcast_in_dim3A_209 = vector.broadcast %jit3A_208 : i32 to vector<16xi32>
    %select_n3A_210 = arith.select %and3A_204, %add3A_207, %broadcast_in_dim3A_209 : vector<16xi1>, vector<16xi32>
    %swap3A_211 = arith.constant 160 : index
    %swap3A_212 = tpu.vector_load %arg4[%swap3A_211] {strides = array<i32>} : memref<1024xi32, #tpu.memory_space<vmem>>, vector<16xi32>,
    %swap3A_213 = vector.shape_cast %swap3A_212 : vector<16xi32> to vector<16xi32>
    %swap3A_214 = vector.shape_cast %select_n3A_210 : vector<16xi32> to vector<16xi32>
    tpu.vector_store %arg4[%swap3A_211], %swap3A_214 {strides = array<i32>} : memref<1024xi32, #tpu.memory_space<vmem>>, vector<16xi32>,
    %get3A_215 = arith.constant 176 : index
    %get3A_216 = tpu.vector_load %arg4[%get3A_215] {strides = array<i32>} : memref<1024xi32, #tpu.memory_space<vmem>>, vector<16xi32>,
    %get3A_217 = vector.shape_cast %get3A_216 : vector<16xi32> to vector<16xi32>
    %ge3A_218 = arith.constant 0 : i32
    %ge3A_219 = vector.broadcast %ge3A_218 : i32 to vector<16xi32>
    %ge3A_220 = arith.cmpi sge, %get3A_217, %ge3A_219 : vector<16xi32>
    %lt3A_221 = arith.constant 3 : i32
    %lt3A_222 = vector.broadcast %lt3A_221 : i32 to vector<16xi32>
    %lt3A_223 = arith.cmpi slt, %get3A_217, %lt3A_222 : vector<16xi32>
    %and3A_224 = arith.andi %ge3A_220, %lt3A_223 : vector<16xi1>
    %add3A_225 = arith.constant 1 : i32
    %add3A_226 = vector.broadcast %add3A_225 : i32 to vector<16xi32>
    %add3A_227 = arith.addi %get3A_217, %add3A_226 : vector<16xi32>
    %jit3A_228 = arith.constant -1 : i32
    %broadcast_in_dim3A_229 = vector.broadcast %jit3A_228 : i32 to vector<16xi32>
    %select_n3A_230 = arith.select %and3A_224, %add3A_227, %broadcast_in_dim3A_229 : vector<16xi1>, vector<16xi32>
    %swap3A_231 = arith.constant 176 : index
    %swap3A_232 = tpu.vector_load %arg4[%swap3A_231] {strides = array<i32>} : memref<1024xi32, #tpu.memory_space<vmem>>, vector<16xi32>,
    %swap3A_233 = vector.shape_cast %swap3A_232 : vector<16xi32> to vector<16xi32>
    %swap3A_234 = vector.shape_cast %select_n3A_230 : vector<16xi32> to vector<16xi32>
    tpu.vector_store %arg4[%swap3A_231], %swap3A_234 {strides = array<i32>} : memref<1024xi32, #tpu.memory_space<vmem>>, vector<16xi32>,
    %get3A_235 = arith.constant 192 : index
    %get3A_236 = tpu.vector_load %arg4[%get3A_235] {strides = array<i32>} : memref<1024xi32, #tpu.memory_space<vmem>>, vector<16xi32>,
    %get3A_237 = vector.shape_cast %get3A_236 : vector<16xi32> to vector<16xi32>
    %ge3A_238 = arith.constant 0 : i32
    %ge3A_239 = vector.broadcast %ge3A_238 : i32 to vector<16xi32>
    %ge3A_240 = arith.cmpi sge, %get3A_237, %ge3A_239 : vector<16xi32>
    %lt3A_241 = arith.constant 3 : i32
    %lt3A_242 = vector.broadcast %lt3A_241 : i32 to vector<16xi32>
    %lt3A_243 = arith.cmpi slt, %get3A_237, %lt3A_242 : vector<16xi32>
    %and3A_244 = arith.andi %ge3A_240, %lt3A_243 : vector<16xi1>
    %add3A_245 = arith.constant 1 : i32
    %add3A_246 = vector.broadcast %add3A_245 : i32 to vector<16xi32>
    %add3A_247 = arith.addi %get3A_237, %add3A_246 : vector<16xi32>
    %jit3A_248 = arith.constant -1 : i32
    %broadcast_in_dim3A_249 = vector.broadcast %jit3A_248 : i32 to vector<16xi32>
    %select_n3A_250 = arith.select %and3A_244, %add3A_247, %broadcast_in_dim3A_249 : vector<16xi1>, vector<16xi32>
    %swap3A_251 = arith.constant 192 : index
    %swap3A_252 = tpu.vector_load %arg4[%swap3A_251] {strides = array<i32>} : memref<1024xi32, #tpu.memory_space<vmem>>, vector<16xi32>,
    %swap3A_253 = vector.shape_cast %swap3A_252 : vector<16xi32> to vector<16xi32>
    %swap3A_254 = vector.shape_cast %select_n3A_250 : vector<16xi32> to vector<16xi32>
    tpu.vector_store %arg4[%swap3A_251], %swap3A_254 {strides = array<i32>} : memref<1024xi32, #tpu.memory_space<vmem>>, vector<16xi32>,
    %get3A_255 = arith.constant 208 : index
    %get3A_256 = tpu.vector_load %arg4[%get3A_255] {strides = array<i32>} : memref<1024xi32, #tpu.memory_space<vmem>>, vector<16xi32>,
    %get3A_257 = vector.shape_cast %get3A_256 : vector<16xi32> to vector<16xi32>
    %ge3A_258 = arith.constant 0 : i32
    %ge3A_259 = vector.broadcast %ge3A_258 : i32 to vector<16xi32>
    %ge3A_260 = arith.cmpi sge, %get3A_257, %ge3A_259 : vector<16xi32>
    %lt3A_261 = arith.constant 3 : i32
    %lt3A_262 = vector.broadcast %lt3A_261 : i32 to vector<16xi32>
    %lt3A_263 = arith.cmpi slt, %get3A_257, %lt3A_262 : vector<16xi32>
    %and3A_264 = arith.andi %ge3A_260, %lt3A_263 : vector<16xi1>
    %add3A_265 = arith.constant 1 : i32
    %add3A_266 = vector.broadcast %add3A_265 : i32 to vector<16xi32>
    %add3A_267 = arith.addi %get3A_257, %add3A_266 : vector<16xi32>
    %jit3A_268 = arith.constant -1 : i32
    %broadcast_in_dim3A_269 = vector.broadcast %jit3A_268 : i32 to vector<16xi32>
    %select_n3A_270 = arith.select %and3A_264, %add3A_267, %broadcast_in_dim3A_269 : vector<16xi1>, vector<16xi32>
    %swap3A_271 = arith.constant 208 : index
    %swap3A_272 = tpu.vector_load %arg4[%swap3A_271] {strides = array<i32>} : memref<1024xi32, #tpu.memory_space<vmem>>, vector<16xi32>,
    %swap3A_273 = vector.shape_cast %swap3A_272 : vector<16xi32> to vector<16xi32>
    %swap3A_274 = vector.shape_cast %select_n3A_270 : vector<16xi32> to vector<16xi32>
    tpu.vector_store %arg4[%swap3A_271], %swap3A_274 {strides = array<i32>} : memref<1024xi32, #tpu.memory_space<vmem>>, vector<16xi32>,
    %get3A_275 = arith.constant 224 : index
    %get3A_276 = tpu.vector_load %arg4[%get3A_275] {strides = array<i32>} : memref<1024xi32, #tpu.memory_space<vmem>>, vector<16xi32>,
    %get3A_277 = vector.shape_cast %get3A_276 : vector<16xi32> to vector<16xi32>
    %ge3A_278 = arith.constant 0 : i32
    %ge3A_279 = vector.broadcast %ge3A_278 : i32 to vector<16xi32>
    %ge3A_280 = arith.cmpi sge, %get3A_277, %ge3A_279 : vector<16xi32>
    %lt3A_281 = arith.constant 3 : i32
    %lt3A_282 = vector.broadcast %lt3A_281 : i32 to vector<16xi32>
    %lt3A_283 = arith.cmpi slt, %get3A_277, %lt3A_282 : vector<16xi32>
    %and3A_284 = arith.andi %ge3A_280, %lt3A_283 : vector<16xi1>
    %add3A_285 = arith.constant 1 : i32
    %add3A_286 = vector.broadcast %add3A_285 : i32 to vector<16xi32>
    %add3A_287 = arith.addi %get3A_277, %add3A_286 : vector<16xi32>
    %jit3A_288 = arith.constant -1 : i32
    %broadcast_in_dim3A_289 = vector.broadcast %jit3A_288 : i32 to vector<16xi32>
    %select_n3A_290 = arith.select %and3A_284, %add3A_287, %broadcast_in_dim3A_289 : vector<16xi1>, vector<16xi32>
    %swap3A_291 = arith.constant 224 : index
    %swap3A_292 = tpu.vector_load %arg4[%swap3A_291] {strides = array<i32>} : memref<1024xi32, #tpu.memory_space<vmem>>, vector<16xi32>,
    %swap3A_293 = vector.shape_cast %swap3A_292 : vector<16xi32> to vector<16xi32>
    %swap3A_294 = vector.shape_cast %select_n3A_290 : vector<16xi32> to vector<16xi32>
    tpu.vector_store %arg4[%swap3A_291], %swap3A_294 {strides = array<i32>} : memref<1024xi32, #tpu.memory_space<vmem>>, vector<16xi32>,
    %get3A_295 = arith.constant 240 : index
    %get3A_296 = tpu.vector_load %arg4[%get3A_295] {strides = array<i32>} : memref<1024xi32, #tpu.memory_space<vmem>>, vector<16xi32>,
    %get3A_297 = vector.shape_cast %get3A_296 : vector<16xi32> to vector<16xi32>
    %ge3A_298 = arith.constant 0 : i32
    %ge3A_299 = vector.broadcast %ge3A_298 : i32 to vector<16xi32>
    %ge3A_300 = arith.cmpi sge, %get3A_297, %ge3A_299 : vector<16xi32>
    %lt3A_301 = arith.constant 3 : i32
    %lt3A_302 = vector.broadcast %lt3A_301 : i32 to vector<16xi32>
    %lt3A_303 = arith.cmpi slt, %get3A_297, %lt3A_302 : vector<16xi32>
    %and3A_304 = arith.andi %ge3A_300, %lt3A_303 : vector<16xi1>
    %add3A_305 = arith.constant 1 : i32
    %add3A_306 = vector.broadcast %add3A_305 : i32 to vector<16xi32>
    %add3A_307 = arith.addi %get3A_297, %add3A_306 : vector<16xi32>
    %jit3A_308 = arith.constant -1 : i32
    %broadcast_in_dim3A_309 = vector.broadcast %jit3A_308 : i32 to vector<16xi32>
    %select_n3A_310 = arith.select %and3A_304, %add3A_307, %broadcast_in_dim3A_309 : vector<16xi1>, vector<16xi32>
    %swap3A_311 = arith.constant 240 : index
    %swap3A_312 = tpu.vector_load %arg4[%swap3A_311] {strides = array<i32>} : memref<1024xi32, #tpu.memory_space<vmem>>, vector<16xi32>,
    %swap3A_313 = vector.shape_cast %swap3A_312 : vector<16xi32> to vector<16xi32>
    %swap3A_314 = vector.shape_cast %select_n3A_310 : vector<16xi32> to vector<16xi32>
    tpu.vector_store %arg4[%swap3A_311], %swap3A_314 {strides = array<i32>} : memref<1024xi32, #tpu.memory_space<vmem>>, vector<16xi32>,
    %get3A_315 = arith.constant 256 : index
    %get3A_316 = tpu.vector_load %arg4[%get3A_315] {strides = array<i32>} : memref<1024xi32, #tpu.memory_space<vmem>>, vector<16xi32>,
    %get3A_317 = vector.shape_cast %get3A_316 : vector<16xi32> to vector<16xi32>
    %ge3A_318 = arith.constant 0 : i32
    %ge3A_319 = vector.broadcast %ge3A_318 : i32 to vector<16xi32>
    %ge3A_320 = arith.cmpi sge, %get3A_317, %ge3A_319 : vector<16xi32>
    %lt3A_321 = arith.constant 3 : i32
    %lt3A_322 = vector.broadcast %lt3A_321 : i32 to vector<16xi32>
    %lt3A_323 = arith.cmpi slt, %get3A_317, %lt3A_322 : vector<16xi32>
    %and3A_324 = arith.andi %ge3A_320, %lt3A_323 : vector<16xi1>
    %add3A_325 = arith.constant 1 : i32
    %add3A_326 = vector.broadcast %add3A_325 : i32 to vector<16xi32>
    %add3A_327 = arith.addi %get3A_317, %add3A_326 : vector<16xi32>
    %jit3A_328 = arith.constant -1 : i32
    %broadcast_in_dim3A_329 = vector.broadcast %jit3A_328 : i32 to vector<16xi32>
    %select_n3A_330 = arith.select %and3A_324, %add3A_327, %broadcast_in_dim3A_329 : vector<16xi1>, vector<16xi32>
    %swap3A_331 = arith.constant 256 : index
    %swap3A_332 = tpu.vector_load %arg4[%swap3A_331] {strides = array<i32>} : memref<1024xi32, #tpu.memory_space<vmem>>, vector<16xi32>,
    %swap3A_333 = vector.shape_cast %swap3A_332 : vector<16xi32> to vector<16xi32>
    %swap3A_334 = vector.shape_cast %select_n3A_330 : vector<16xi32> to vector<16xi32>
    tpu.vector_store %arg4[%swap3A_331], %swap3A_334 {strides = array<i32>} : memref<1024xi32, #tpu.memory_space<vmem>>, vector<16xi32>,
    %get3A_335 = arith.constant 272 : index
    %get3A_336 = tpu.vector_load %arg4[%get3A_335] {strides = array<i32>} : memref<1024xi32, #tpu.memory_space<vmem>>, vector<16xi32>,
    %get3A_337 = vector.shape_cast %get3A_336 : vector<16xi32> to vector<16xi32>
    %ge3A_338 = arith.constant 0 : i32
    %ge3A_339 = vector.broadcast %ge3A_338 : i32 to vector<16xi32>
    %ge3A_340 = arith.cmpi sge, %get3A_337, %ge3A_339 : vector<16xi32>
    %lt3A_341 = arith.constant 3 : i32
    %lt3A_342 = vector.broadcast %lt3A_341 : i32 to vector<16xi32>
    %lt3A_343 = arith.cmpi slt, %get3A_337, %lt3A_342 : vector<16xi32>
    %and3A_344 = arith.andi %ge3A_340, %lt3A_343 : vector<16xi1>
    %add3A_345 = arith.constant 1 : i32
    %add3A_346 = vector.broadcast %add3A_345 : i32 to vector<16xi32>
    %add3A_347 = arith.addi %get3A_337, %add3A_346 : vector<16xi32>
    %jit3A_348 = arith.constant -1 : i32
    %broadcast_in_dim3A_349 = vector.broadcast %jit3A_348 : i32 to vector<16xi32>
    %select_n3A_350 = arith.select %and3A_344, %add3A_347, %broadcast_in_dim3A_349 : vector<16xi1>, vector<16xi32>
    %swap3A_351 = arith.constant 272 : index
    %swap3A_352 = tpu.vector_load %arg4[%swap3A_351] {strides = array<i32>} : memref<1024xi32, #tpu.memory_space<vmem>>, vector<16xi32>,
    %swap3A_353 = vector.shape_cast %swap3A_352 : vector<16xi32> to vector<16xi32>
    %swap3A_354 = vector.shape_cast %select_n3A_350 : vector<16xi32> to vector<16xi32>
    tpu.vector_store %arg4[%swap3A_351], %swap3A_354 {strides = array<i32>} : memref<1024xi32, #tpu.memory_space<vmem>>, vector<16xi32>,
    %get3A_355 = arith.constant 288 : index
    %get3A_356 = tpu.vector_load %arg4[%get3A_355] {strides = array<i32>} : memref<1024xi32, #tpu.memory_space<vmem>>, vector<16xi32>,
    %get3A_357 = vector.shape_cast %get3A_356 : vector<16xi32> to vector<16xi32>
    %ge3A_358 = arith.constant 0 : i32
    %ge3A_359 = vector.broadcast %ge3A_358 : i32 to vector<16xi32>
    %ge3A_360 = arith.cmpi sge, %get3A_357, %ge3A_359 : vector<16xi32>
    %lt3A_361 = arith.constant 3 : i32
    %lt3A_362 = vector.broadcast %lt3A_361 : i32 to vector<16xi32>
    %lt3A_363 = arith.cmpi slt, %get3A_357, %lt3A_362 : vector<16xi32>
    %and3A_364 = arith.andi %ge3A_360, %lt3A_363 : vector<16xi1>
    %add3A_365 = arith.constant 1 : i32
    %add3A_366 = vector.broadcast %add3A_365 : i32 to vector<16xi32>
    %add3A_367 = arith.addi %get3A_357, %add3A_366 : vector<16xi32>
    %jit3A_368 = arith.constant -1 : i32
    %broadcast_in_dim3A_369 = vector.broadcast %jit3A_368 : i32 to vector<16xi32>
    %select_n3A_370 = arith.select %and3A_364, %add3A_367, %broadcast_in_dim3A_369 : vector<16xi1>, vector<16xi32>
    %swap3A_371 = arith.constant 288 : index
    %swap3A_372 = tpu.vector_load %arg4[%swap3A_371] {strides = array<i32>} : memref<1024xi32, #tpu.memory_space<vmem>>, vector<16xi32>,
    %swap3A_373 = vector.shape_cast %swap3A_372 : vector<16xi32> to vector<16xi32>
    %swap3A_374 = vector.shape_cast %select_n3A_370 : vector<16xi32> to vector<16xi32>
    tpu.vector_store %arg4[%swap3A_371], %swap3A_374 {strides = array<i32>} : memref<1024xi32, #tpu.memory_space<vmem>>, vector<16xi32>,
    %get3A_375 = arith.constant 304 : index
    %get3A_376 = tpu.vector_load %arg4[%get3A_375] {strides = array<i32>} : memref<1024xi32, #tpu.memory_space<vmem>>, vector<16xi32>,
    %get3A_377 = vector.shape_cast %get3A_376 : vector<16xi32> to vector<16xi32>
    %ge3A_378 = arith.constant 0 : i32
    %ge3A_379 = vector.broadcast %ge3A_378 : i32 to vector<16xi32>
    %ge3A_380 = arith.cmpi sge, %get3A_377, %ge3A_379 : vector<16xi32>
    %lt3A_381 = arith.constant 3 : i32
    %lt3A_382 = vector.broadcast %lt3A_381 : i32 to vector<16xi32>
    %lt3A_383 = arith.cmpi slt, %get3A_377, %lt3A_382 : vector<16xi32>
    %and3A_384 = arith.andi %ge3A_380, %lt3A_383 : vector<16xi1>
    %add3A_385 = arith.constant 1 : i32
    %add3A_386 = vector.broadcast %add3A_385 : i32 to vector<16xi32>
    %add3A_387 = arith.addi %get3A_377, %add3A_386 : vector<16xi32>
    %jit3A_388 = arith.constant -1 : i32
    %broadcast_in_dim3A_389 = vector.broadcast %jit3A_388 : i32 to vector<16xi32>
    %select_n3A_390 = arith.select %and3A_384, %add3A_387, %broadcast_in_dim3A_389 : vector<16xi1>, vector<16xi32>
    %swap3A_391 = arith.constant 304 : index
    %swap3A_392 = tpu.vector_load %arg4[%swap3A_391] {strides = array<i32>} : memref<1024xi32, #tpu.memory_space<vmem>>, vector<16xi32>,
    %swap3A_393 = vector.shape_cast %swap3A_392 : vector<16xi32> to vector<16xi32>
    %swap3A_394 = vector.shape_cast %select_n3A_390 : vector<16xi32> to vector<16xi32>
    tpu.vector_store %arg4[%swap3A_391], %swap3A_394 {strides = array<i32>} : memref<1024xi32, #tpu.memory_space<vmem>>, vector<16xi32>,
    %get3A_395 = arith.constant 320 : index
    %get3A_396 = tpu.vector_load %arg4[%get3A_395] {strides = array<i32>} : memref<1024xi32, #tpu.memory_space<vmem>>, vector<16xi32>,
    %get3A_397 = vector.shape_cast %get3A_396 : vector<16xi32> to vector<16xi32>
    %ge3A_398 = arith.constant 0 : i32
    %ge3A_399 = vector.broadcast %ge3A_398 : i32 to vector<16xi32>
    %ge3A_400 = arith.cmpi sge, %get3A_397, %ge3A_399 : vector<16xi32>
    %lt3A_401 = arith.constant 3 : i32
    %lt3A_402 = vector.broadcast %lt3A_401 : i32 to vector<16xi32>
    %lt3A_403 = arith.cmpi slt, %get3A_397, %lt3A_402 : vector<16xi32>
    %and3A_404 = arith.andi %ge3A_400, %lt3A_403 : vector<16xi1>
    %add3A_405 = arith.constant 1 : i32
    %add3A_406 = vector.broadcast %add3A_405 : i32 to vector<16xi32>
    %add3A_407 = arith.addi %get3A_397, %add3A_406 : vector<16xi32>
    %jit3A_408 = arith.constant -1 : i32
    %broadcast_in_dim3A_409 = vector.broadcast %jit3A_408 : i32 to vector<16xi32>
    %select_n3A_410 = arith.select %and3A_404, %add3A_407, %broadcast_in_dim3A_409 : vector<16xi1>, vector<16xi32>
    %swap3A_411 = arith.constant 320 : index
    %swap3A_412 = tpu.vector_load %arg4[%swap3A_411] {strides = array<i32>} : memref<1024xi32, #tpu.memory_space<vmem>>, vector<16xi32>,
    %swap3A_413 = vector.shape_cast %swap3A_412 : vector<16xi32> to vector<16xi32>
    %swap3A_414 = vector.shape_cast %select_n3A_410 : vector<16xi32> to vector<16xi32>
    tpu.vector_store %arg4[%swap3A_411], %swap3A_414 {strides = array<i32>} : memref<1024xi32, #tpu.memory_space<vmem>>, vector<16xi32>,
    %get3A_415 = arith.constant 336 : index
    %get3A_416 = tpu.vector_load %arg4[%get3A_415] {strides = array<i32>} : memref<1024xi32, #tpu.memory_space<vmem>>, vector<16xi32>,
    %get3A_417 = vector.shape_cast %get3A_416 : vector<16xi32> to vector<16xi32>
    %ge3A_418 = arith.constant 0 : i32
    %ge3A_419 = vector.broadcast %ge3A_418 : i32 to vector<16xi32>
    %ge3A_420 = arith.cmpi sge, %get3A_417, %ge3A_419 : vector<16xi32>
    %lt3A_421 = arith.constant 3 : i32
    %lt3A_422 = vector.broadcast %lt3A_421 : i32 to vector<16xi32>
    %lt3A_423 = arith.cmpi slt, %get3A_417, %lt3A_422 : vector<16xi32>
    %and3A_424 = arith.andi %ge3A_420, %lt3A_423 : vector<16xi1>
    %add3A_425 = arith.constant 1 : i32
    %add3A_426 = vector.broadcast %add3A_425 : i32 to vector<16xi32>
    %add3A_427 = arith.addi %get3A_417, %add3A_426 : vector<16xi32>
    %jit3A_428 = arith.constant -1 : i32
    %broadcast_in_dim3A_429 = vector.broadcast %jit3A_428 : i32 to vector<16xi32>
    %select_n3A_430 = arith.select %and3A_424, %add3A_427, %broadcast_in_dim3A_429 : vector<16xi1>, vector<16xi32>
    %swap3A_431 = arith.constant 336 : index
    %swap3A_432 = tpu.vector_load %arg4[%swap3A_431] {strides = array<i32>} : memref<1024xi32, #tpu.memory_space<vmem>>, vector<16xi32>,
    %swap3A_433 = vector.shape_cast %swap3A_432 : vector<16xi32> to vector<16xi32>
    %swap3A_434 = vector.shape_cast %select_n3A_430 : vector<16xi32> to vector<16xi32>
    tpu.vector_store %arg4[%swap3A_431], %swap3A_434 {strides = array<i32>} : memref<1024xi32, #tpu.memory_space<vmem>>, vector<16xi32>,
    %get3A_435 = arith.constant 352 : index
    %get3A_436 = tpu.vector_load %arg4[%get3A_435] {strides = array<i32>} : memref<1024xi32, #tpu.memory_space<vmem>>, vector<16xi32>,
    %get3A_437 = vector.shape_cast %get3A_436 : vector<16xi32> to vector<16xi32>
    %ge3A_438 = arith.constant 0 : i32
    %ge3A_439 = vector.broadcast %ge3A_438 : i32 to vector<16xi32>
    %ge3A_440 = arith.cmpi sge, %get3A_437, %ge3A_439 : vector<16xi32>
    %lt3A_441 = arith.constant 3 : i32
    %lt3A_442 = vector.broadcast %lt3A_441 : i32 to vector<16xi32>
    %lt3A_443 = arith.cmpi slt, %get3A_437, %lt3A_442 : vector<16xi32>
    %and3A_444 = arith.andi %ge3A_440, %lt3A_443 : vector<16xi1>
    %add3A_445 = arith.constant 1 : i32
    %add3A_446 = vector.broadcast %add3A_445 : i32 to vector<16xi32>
    %add3A_447 = arith.addi %get3A_437, %add3A_446 : vector<16xi32>
    %jit3A_448 = arith.constant -1 : i32
    %broadcast_in_dim3A_449 = vector.broadcast %jit3A_448 : i32 to vector<16xi32>
    %select_n3A_450 = arith.select %and3A_444, %add3A_447, %broadcast_in_dim3A_449 : vector<16xi1>, vector<16xi32>
    %swap3A_451 = arith.constant 352 : index
    %swap3A_452 = tpu.vector_load %arg4[%swap3A_451] {strides = array<i32>} : memref<1024xi32, #tpu.memory_space<vmem>>, vector<16xi32>,
    %swap3A_453 = vector.shape_cast %swap3A_452 : vector<16xi32> to vector<16xi32>
    %swap3A_454 = vector.shape_cast %select_n3A_450 : vector<16xi32> to vector<16xi32>
    tpu.vector_store %arg4[%swap3A_451], %swap3A_454 {strides = array<i32>} : memref<1024xi32, #tpu.memory_space<vmem>>, vector<16xi32>,
    %get3A_455 = arith.constant 368 : index
    %get3A_456 = tpu.vector_load %arg4[%get3A_455] {strides = array<i32>} : memref<1024xi32, #tpu.memory_space<vmem>>, vector<16xi32>,
    %get3A_457 = vector.shape_cast %get3A_456 : vector<16xi32> to vector<16xi32>
    %ge3A_458 = arith.constant 0 : i32
    %ge3A_459 = vector.broadcast %ge3A_458 : i32 to vector<16xi32>
    %ge3A_460 = arith.cmpi sge, %get3A_457, %ge3A_459 : vector<16xi32>
    %lt3A_461 = arith.constant 3 : i32
    %lt3A_462 = vector.broadcast %lt3A_461 : i32 to vector<16xi32>
    %lt3A_463 = arith.cmpi slt, %get3A_457, %lt3A_462 : vector<16xi32>
    %and3A_464 = arith.andi %ge3A_460, %lt3A_463 : vector<16xi1>
    %add3A_465 = arith.constant 1 : i32
    %add3A_466 = vector.broadcast %add3A_465 : i32 to vector<16xi32>
    %add3A_467 = arith.addi %get3A_457, %add3A_466 : vector<16xi32>
    %jit3A_468 = arith.constant -1 : i32
    %broadcast_in_dim3A_469 = vector.broadcast %jit3A_468 : i32 to vector<16xi32>
    %select_n3A_470 = arith.select %and3A_464, %add3A_467, %broadcast_in_dim3A_469 : vector<16xi1>, vector<16xi32>
    %swap3A_471 = arith.constant 368 : index
    %swap3A_472 = tpu.vector_load %arg4[%swap3A_471] {strides = array<i32>} : memref<1024xi32, #tpu.memory_space<vmem>>, vector<16xi32>,
    %swap3A_473 = vector.shape_cast %swap3A_472 : vector<16xi32> to vector<16xi32>
    %swap3A_474 = vector.shape_cast %select_n3A_470 : vector<16xi32> to vector<16xi32>
    tpu.vector_store %arg4[%swap3A_471], %swap3A_474 {strides = array<i32>} : memref<1024xi32, #tpu.memory_space<vmem>>, vector<16xi32>,
    %get3A_475 = arith.constant 384 : index
    %get3A_476 = tpu.vector_load %arg4[%get3A_475] {strides = array<i32>} : memref<1024xi32, #tpu.memory_space<vmem>>, vector<16xi32>,
    %get3A_477 = vector.shape_cast %get3A_476 : vector<16xi32> to vector<16xi32>
    %ge3A_478 = arith.constant 0 : i32
    %ge3A_479 = vector.broadcast %ge3A_478 : i32 to vector<16xi32>
    %ge3A_480 = arith.cmpi sge, %get3A_477, %ge3A_479 : vector<16xi32>
    %lt3A_481 = arith.constant 3 : i32
    %lt3A_482 = vector.broadcast %lt3A_481 : i32 to vector<16xi32>
    %lt3A_483 = arith.cmpi slt, %get3A_477, %lt3A_482 : vector<16xi32>
    %and3A_484 = arith.andi %ge3A_480, %lt3A_483 : vector<16xi1>
    %add3A_485 = arith.constant 1 : i32
    %add3A_486 = vector.broadcast %add3A_485 : i32 to vector<16xi32>
    %add3A_487 = arith.addi %get3A_477, %add3A_486 : vector<16xi32>
    %jit3A_488 = arith.constant -1 : i32
    %broadcast_in_dim3A_489 = vector.broadcast %jit3A_488 : i32 to vector<16xi32>
    %select_n3A_490 = arith.select %and3A_484, %add3A_487, %broadcast_in_dim3A_489 : vector<16xi1>, vector<16xi32>
    %swap3A_491 = arith.constant 384 : index
    %swap3A_492 = tpu.vector_load %arg4[%swap3A_491] {strides = array<i32>} : memref<1024xi32, #tpu.memory_space<vmem>>, vector<16xi32>,
    %swap3A_493 = vector.shape_cast %swap3A_492 : vector<16xi32> to vector<16xi32>
    %swap3A_494 = vector.shape_cast %select_n3A_490 : vector<16xi32> to vector<16xi32>
    tpu.vector_store %arg4[%swap3A_491], %swap3A_494 {strides = array<i32>} : memref<1024xi32, #tpu.memory_space<vmem>>, vector<16xi32>,
    %get3A_495 = arith.constant 400 : index
    %get3A_496 = tpu.vector_load %arg4[%get3A_495] {strides = array<i32>} : memref<1024xi32, #tpu.memory_space<vmem>>, vector<16xi32>,
    %get3A_497 = vector.shape_cast %get3A_496 : vector<16xi32> to vector<16xi32>
    %ge3A_498 = arith.constant 0 : i32
    %ge3A_499 = vector.broadcast %ge3A_498 : i32 to vector<16xi32>
    %ge3A_500 = arith.cmpi sge, %get3A_497, %ge3A_499 : vector<16xi32>
    %lt3A_501 = arith.constant 3 : i32
    %lt3A_502 = vector.broadcast %lt3A_501 : i32 to vector<16xi32>
    %lt3A_503 = arith.cmpi slt, %get3A_497, %lt3A_502 : vector<16xi32>
    %and3A_504 = arith.andi %ge3A_500, %lt3A_503 : vector<16xi1>
    %add3A_505 = arith.constant 1 : i32
    %add3A_506 = vector.broadcast %add3A_505 : i32 to vector<16xi32>
    %add3A_507 = arith.addi %get3A_497, %add3A_506 : vector<16xi32>
    %jit3A_508 = arith.constant -1 : i32
    %broadcast_in_dim3A_509 = vector.broadcast %jit3A_508 : i32 to vector<16xi32>
    %select_n3A_510 = arith.select %and3A_504, %add3A_507, %broadcast_in_dim3A_509 : vector<16xi1>, vector<16xi32>
    %swap3A_511 = arith.constant 400 : index
    %swap3A_512 = tpu.vector_load %arg4[%swap3A_511] {strides = array<i32>} : memref<1024xi32, #tpu.memory_space<vmem>>, vector<16xi32>,
    %swap3A_513 = vector.shape_cast %swap3A_512 : vector<16xi32> to vector<16xi32>
    %swap3A_514 = vector.shape_cast %select_n3A_510 : vector<16xi32> to vector<16xi32>
    tpu.vector_store %arg4[%swap3A_511], %swap3A_514 {strides = array<i32>} : memref<1024xi32, #tpu.memory_space<vmem>>, vector<16xi32>,
    %get3A_515 = arith.constant 416 : index
    %get3A_516 = tpu.vector_load %arg4[%get3A_515] {strides = array<i32>} : memref<1024xi32, #tpu.memory_space<vmem>>, vector<16xi32>,
    %get3A_517 = vector.shape_cast %get3A_516 : vector<16xi32> to vector<16xi32>
    %ge3A_518 = arith.constant 0 : i32
    %ge3A_519 = vector.broadcast %ge3A_518 : i32 to vector<16xi32>
    %ge3A_520 = arith.cmpi sge, %get3A_517, %ge3A_519 : vector<16xi32>
    %lt3A_521 = arith.constant 3 : i32
    %lt3A_522 = vector.broadcast %lt3A_521 : i32 to vector<16xi32>
    %lt3A_523 = arith.cmpi slt, %get3A_517, %lt3A_522 : vector<16xi32>
    %and3A_524 = arith.andi %ge3A_520, %lt3A_523 : vector<16xi1>
    %add3A_525 = arith.constant 1 : i32
    %add3A_526 = vector.broadcast %add3A_525 : i32 to vector<16xi32>
    %add3A_527 = arith.addi %get3A_517, %add3A_526 : vector<16xi32>
    %jit3A_528 = arith.constant -1 : i32
    %broadcast_in_dim3A_529 = vector.broadcast %jit3A_528 : i32 to vector<16xi32>
    %select_n3A_530 = arith.select %and3A_524, %add3A_527, %broadcast_in_dim3A_529 : vector<16xi1>, vector<16xi32>
    %swap3A_531 = arith.constant 416 : index
    %swap3A_532 = tpu.vector_load %arg4[%swap3A_531] {strides = array<i32>} : memref<1024xi32, #tpu.memory_space<vmem>>, vector<16xi32>,
    %swap3A_533 = vector.shape_cast %swap3A_532 : vector<16xi32> to vector<16xi32>
    %swap3A_534 = vector.shape_cast %select_n3A_530 : vector<16xi32> to vector<16xi32>
    tpu.vector_store %arg4[%swap3A_531], %swap3A_534 {strides = array<i32>} : memref<1024xi32, #tpu.memory_space<vmem>>, vector<16xi32>,
    %get3A_535 = arith.constant 432 : index
    %get3A_536 = tpu.vector_load %arg4[%get3A_535] {strides = array<i32>} : memref<1024xi32, #tpu.memory_space<vmem>>, vector<16xi32>,
    %get3A_537 = vector.shape_cast %get3A_536 : vector<16xi32> to vector<16xi32>
    %ge3A_538 = arith.constant 0 : i32
    %ge3A_539 = vector.broadcast %ge3A_538 : i32 to vector<16xi32>
    %ge3A_540 = arith.cmpi sge, %get3A_537, %ge3A_539 : vector<16xi32>
    %lt3A_541 = arith.constant 3 : i32
    %lt3A_542 = vector.broadcast %lt3A_541 : i32 to vector<16xi32>
    %lt3A_543 = arith.cmpi slt, %get3A_537, %lt3A_542 : vector<16xi32>
    %and3A_544 = arith.andi %ge3A_540, %lt3A_543 : vector<16xi1>
    %add3A_545 = arith.constant 1 : i32
    %add3A_546 = vector.broadcast %add3A_545 : i32 to vector<16xi32>
    %add3A_547 = arith.addi %get3A_537, %add3A_546 : vector<16xi32>
    %jit3A_548 = arith.constant -1 : i32
    %broadcast_in_dim3A_549 = vector.broadcast %jit3A_548 : i32 to vector<16xi32>
    %select_n3A_550 = arith.select %and3A_544, %add3A_547, %broadcast_in_dim3A_549 : vector<16xi1>, vector<16xi32>
    %swap3A_551 = arith.constant 432 : index
    %swap3A_552 = tpu.vector_load %arg4[%swap3A_551] {strides = array<i32>} : memref<1024xi32, #tpu.memory_space<vmem>>, vector<16xi32>,
    %swap3A_553 = vector.shape_cast %swap3A_552 : vector<16xi32> to vector<16xi32>
    %swap3A_554 = vector.shape_cast %select_n3A_550 : vector<16xi32> to vector<16xi32>
    tpu.vector_store %arg4[%swap3A_551], %swap3A_554 {strides = array<i32>} : memref<1024xi32, #tpu.memory_space<vmem>>, vector<16xi32>,
    %get3A_555 = arith.constant 448 : index
    %get3A_556 = tpu.vector_load %arg4[%get3A_555] {strides = array<i32>} : memref<1024xi32, #tpu.memory_space<vmem>>, vector<16xi32>,
    %get3A_557 = vector.shape_cast %get3A_556 : vector<16xi32> to vector<16xi32>
    %ge3A_558 = arith.constant 0 : i32
    %ge3A_559 = vector.broadcast %ge3A_558 : i32 to vector<16xi32>
    %ge3A_560 = arith.cmpi sge, %get3A_557, %ge3A_559 : vector<16xi32>
    %lt3A_561 = arith.constant 3 : i32
    %lt3A_562 = vector.broadcast %lt3A_561 : i32 to vector<16xi32>
    %lt3A_563 = arith.cmpi slt, %get3A_557, %lt3A_562 : vector<16xi32>
    %and3A_564 = arith.andi %ge3A_560, %lt3A_563 : vector<16xi1>
    %add3A_565 = arith.constant 1 : i32
    %add3A_566 = vector.broadcast %add3A_565 : i32 to vector<16xi32>
    %add3A_567 = arith.addi %get3A_557, %add3A_566 : vector<16xi32>
    %jit3A_568 = arith.constant -1 : i32
    %broadcast_in_dim3A_569 = vector.broadcast %jit3A_568 : i32 to vector<16xi32>
    %select_n3A_570 = arith.select %and3A_564, %add3A_567, %broadcast_in_dim3A_569 : vector<16xi1>, vector<16xi32>
    %swap3A_571 = arith.constant 448 : index
    %swap3A_572 = tpu.vector_load %arg4[%swap3A_571] {strides = array<i32>} : memref<1024xi32, #tpu.memory_space<vmem>>, vector<16xi32>,
    %swap3A_573 = vector.shape_cast %swap3A_572 : vector<16xi32> to vector<16xi32>
    %swap3A_574 = vector.shape_cast %select_n3A_570 : vector<16xi32> to vector<16xi32>
    tpu.vector_store %arg4[%swap3A_571], %swap3A_574 {strides = array<i32>} : memref<1024xi32, #tpu.memory_space<vmem>>, vector<16xi32>,
    %get3A_575 = arith.constant 464 : index
    %get3A_576 = tpu.vector_load %arg4[%get3A_575] {strides = array<i32>} : memref<1024xi32, #tpu.memory_space<vmem>>, vector<16xi32>,
    %get3A_577 = vector.shape_cast %get3A_576 : vector<16xi32> to vector<16xi32>
    %ge3A_578 = arith.constant 0 : i32
    %ge3A_579 = vector.broadcast %ge3A_578 : i32 to vector<16xi32>
    %ge3A_580 = arith.cmpi sge, %get3A_577, %ge3A_579 : vector<16xi32>
    %lt3A_581 = arith.constant 3 : i32
    %lt3A_582 = vector.broadcast %lt3A_581 : i32 to vector<16xi32>
    %lt3A_583 = arith.cmpi slt, %get3A_577, %lt3A_582 : vector<16xi32>
    %and3A_584 = arith.andi %ge3A_580, %lt3A_583 : vector<16xi1>
    %add3A_585 = arith.constant 1 : i32
    %add3A_586 = vector.broadcast %add3A_585 : i32 to vector<16xi32>
    %add3A_587 = arith.addi %get3A_577, %add3A_586 : vector<16xi32>
    %jit3A_588 = arith.constant -1 : i32
    %broadcast_in_dim3A_589 = vector.broadcast %jit3A_588 : i32 to vector<16xi32>
    %select_n3A_590 = arith.select %and3A_584, %add3A_587, %broadcast_in_dim3A_589 : vector<16xi1>, vector<16xi32>
    %swap3A_591 = arith.constant 464 : index
    %swap3A_592 = tpu.vector_load %arg4[%swap3A_591] {strides = array<i32>} : memref<1024xi32, #tpu.memory_space<vmem>>, vector<16xi32>,
    %swap3A_593 = vector.shape_cast %swap3A_592 : vector<16xi32> to vector<16xi32>
    %swap3A_594 = vector.shape_cast %select_n3A_590 : vector<16xi32> to vector<16xi32>
    tpu.vector_store %arg4[%swap3A_591], %swap3A_594 {strides = array<i32>} : memref<1024xi32, #tpu.memory_space<vmem>>, vector<16xi32>,
    %get3A_595 = arith.constant 480 : index
    %get3A_596 = tpu.vector_load %arg4[%get3A_595] {strides = array<i32>} : memref<1024xi32, #tpu.memory_space<vmem>>, vector<16xi32>,
    %get3A_597 = vector.shape_cast %get3A_596 : vector<16xi32> to vector<16xi32>
    %ge3A_598 = arith.constant 0 : i32
    %ge3A_599 = vector.broadcast %ge3A_598 : i32 to vector<16xi32>
    %ge3A_600 = arith.cmpi sge, %get3A_597, %ge3A_599 : vector<16xi32>
    %lt3A_601 = arith.constant 3 : i32
    %lt3A_602 = vector.broadcast %lt3A_601 : i32 to vector<16xi32>
    %lt3A_603 = arith.cmpi slt, %get3A_597, %lt3A_602 : vector<16xi32>
    %and3A_604 = arith.andi %ge3A_600, %lt3A_603 : vector<16xi1>
    %add3A_605 = arith.constant 1 : i32
    %add3A_606 = vector.broadcast %add3A_605 : i32 to vector<16xi32>
    %add3A_607 = arith.addi %get3A_597, %add3A_606 : vector<16xi32>
    %jit3A_608 = arith.constant -1 : i32
    %broadcast_in_dim3A_609 = vector.broadcast %jit3A_608 : i32 to vector<16xi32>
    %select_n3A_610 = arith.select %and3A_604, %add3A_607, %broadcast_in_dim3A_609 : vector<16xi1>, vector<16xi32>
    %swap3A_611 = arith.constant 480 : index
    %swap3A_612 = tpu.vector_load %arg4[%swap3A_611] {strides = array<i32>} : memref<1024xi32, #tpu.memory_space<vmem>>, vector<16xi32>,
    %swap3A_613 = vector.shape_cast %swap3A_612 : vector<16xi32> to vector<16xi32>
    %swap3A_614 = vector.shape_cast %select_n3A_610 : vector<16xi32> to vector<16xi32>
    tpu.vector_store %arg4[%swap3A_611], %swap3A_614 {strides = array<i32>} : memref<1024xi32, #tpu.memory_space<vmem>>, vector<16xi32>,
    %get3A_615 = arith.constant 496 : index
    %get3A_616 = tpu.vector_load %arg4[%get3A_615] {strides = array<i32>} : memref<1024xi32, #tpu.memory_space<vmem>>, vector<16xi32>,
    %get3A_617 = vector.shape_cast %get3A_616 : vector<16xi32> to vector<16xi32>
    %ge3A_618 = arith.constant 0 : i32
    %ge3A_619 = vector.broadcast %ge3A_618 : i32 to vector<16xi32>
    %ge3A_620 = arith.cmpi sge, %get3A_617, %ge3A_619 : vector<16xi32>
    %lt3A_621 = arith.constant 3 : i32
    %lt3A_622 = vector.broadcast %lt3A_621 : i32 to vector<16xi32>
    %lt3A_623 = arith.cmpi slt, %get3A_617, %lt3A_622 : vector<16xi32>
    %and3A_624 = arith.andi %ge3A_620, %lt3A_623 : vector<16xi1>
    %add3A_625 = arith.constant 1 : i32
    %add3A_626 = vector.broadcast %add3A_625 : i32 to vector<16xi32>
    %add3A_627 = arith.addi %get3A_617, %add3A_626 : vector<16xi32>
    %jit3A_628 = arith.constant -1 : i32
    %broadcast_in_dim3A_629 = vector.broadcast %jit3A_628 : i32 to vector<16xi32>
    %select_n3A_630 = arith.select %and3A_624, %add3A_627, %broadcast_in_dim3A_629 : vector<16xi1>, vector<16xi32>
    %swap3A_631 = arith.constant 496 : index
    %swap3A_632 = tpu.vector_load %arg4[%swap3A_631] {strides = array<i32>} : memref<1024xi32, #tpu.memory_space<vmem>>, vector<16xi32>,
    %swap3A_633 = vector.shape_cast %swap3A_632 : vector<16xi32> to vector<16xi32>
    %swap3A_634 = vector.shape_cast %select_n3A_630 : vector<16xi32> to vector<16xi32>
    tpu.vector_store %arg4[%swap3A_631], %swap3A_634 {strides = array<i32>} : memref<1024xi32, #tpu.memory_space<vmem>>, vector<16xi32>,
    %get3A_635 = arith.constant 512 : index
    %get3A_636 = tpu.vector_load %arg4[%get3A_635] {strides = array<i32>} : memref<1024xi32, #tpu.memory_space<vmem>>, vector<16xi32>,
    %get3A_637 = vector.shape_cast %get3A_636 : vector<16xi32> to vector<16xi32>
    %ge3A_638 = arith.constant 0 : i32
    %ge3A_639 = vector.broadcast %ge3A_638 : i32 to vector<16xi32>
    %ge3A_640 = arith.cmpi sge, %get3A_637, %ge3A_639 : vector<16xi32>
    %lt3A_641 = arith.constant 3 : i32
    %lt3A_642 = vector.broadcast %lt3A_641 : i32 to vector<16xi32>
    %lt3A_643 = arith.cmpi slt, %get3A_637, %lt3A_642 : vector<16xi32>
    %and3A_644 = arith.andi %ge3A_640, %lt3A_643 : vector<16xi1>
    %add3A_645 = arith.constant 1 : i32
    %add3A_646 = vector.broadcast %add3A_645 : i32 to vector<16xi32>
    %add3A_647 = arith.addi %get3A_637, %add3A_646 : vector<16xi32>
    %jit3A_648 = arith.constant -1 : i32
    %broadcast_in_dim3A_649 = vector.broadcast %jit3A_648 : i32 to vector<16xi32>
    %select_n3A_650 = arith.select %and3A_644, %add3A_647, %broadcast_in_dim3A_649 : vector<16xi1>, vector<16xi32>
    %swap3A_651 = arith.constant 512 : index
    %swap3A_652 = tpu.vector_load %arg4[%swap3A_651] {strides = array<i32>} : memref<1024xi32, #tpu.memory_space<vmem>>, vector<16xi32>,
    %swap3A_653 = vector.shape_cast %swap3A_652 : vector<16xi32> to vector<16xi32>
    %swap3A_654 = vector.shape_cast %select_n3A_650 : vector<16xi32> to vector<16xi32>
    tpu.vector_store %arg4[%swap3A_651], %swap3A_654 {strides = array<i32>} : memref<1024xi32, #tpu.memory_space<vmem>>, vector<16xi32>,
    %get3A_655 = arith.constant 528 : index
    %get3A_656 = tpu.vector_load %arg4[%get3A_655] {strides = array<i32>} : memref<1024xi32, #tpu.memory_space<vmem>>, vector<16xi32>,
    %get3A_657 = vector.shape_cast %get3A_656 : vector<16xi32> to vector<16xi32>
    %ge3A_658 = arith.constant 0 : i32
    %ge3A_659 = vector.broadcast %ge3A_658 : i32 to vector<16xi32>
    %ge3A_660 = arith.cmpi sge, %get3A_657, %ge3A_659 : vector<16xi32>
    %lt3A_661 = arith.constant 3 : i32
    %lt3A_662 = vector.broadcast %lt3A_661 : i32 to vector<16xi32>
    %lt3A_663 = arith.cmpi slt, %get3A_657, %lt3A_662 : vector<16xi32>
    %and3A_664 = arith.andi %ge3A_660, %lt3A_663 : vector<16xi1>
    %add3A_665 = arith.constant 1 : i32
    %add3A_666 = vector.broadcast %add3A_665 : i32 to vector<16xi32>
    %add3A_667 = arith.addi %get3A_657, %add3A_666 : vector<16xi32>
    %jit3A_668 = arith.constant -1 : i32
    %broadcast_in_dim3A_669 = vector.broadcast %jit3A_668 : i32 to vector<16xi32>
    %select_n3A_670 = arith.select %and3A_664, %add3A_667, %broadcast_in_dim3A_669 : vector<16xi1>, vector<16xi32>
    %swap3A_671 = arith.constant 528 : index
    %swap3A_672 = tpu.vector_load %arg4[%swap3A_671] {strides = array<i32>} : memref<1024xi32, #tpu.memory_space<vmem>>, vector<16xi32>,
    %swap3A_673 = vector.shape_cast %swap3A_672 : vector<16xi32> to vector<16xi32>
    %swap3A_674 = vector.shape_cast %select_n3A_670 : vector<16xi32> to vector<16xi32>
    tpu.vector_store %arg4[%swap3A_671], %swap3A_674 {strides = array<i32>} : memref<1024xi32, #tpu.memory_space<vmem>>, vector<16xi32>,
    %get3A_675 = arith.constant 544 : index
    %get3A_676 = tpu.vector_load %arg4[%get3A_675] {strides = array<i32>} : memref<1024xi32, #tpu.memory_space<vmem>>, vector<16xi32>,
    %get3A_677 = vector.shape_cast %get3A_676 : vector<16xi32> to vector<16xi32>
    %ge3A_678 = arith.constant 0 : i32
    %ge3A_679 = vector.broadcast %ge3A_678 : i32 to vector<16xi32>
    %ge3A_680 = arith.cmpi sge, %get3A_677, %ge3A_679 : vector<16xi32>
    %lt3A_681 = arith.constant 3 : i32
    %lt3A_682 = vector.broadcast %lt3A_681 : i32 to vector<16xi32>
    %lt3A_683 = arith.cmpi slt, %get3A_677, %lt3A_682 : vector<16xi32>
    %and3A_684 = arith.andi %ge3A_680, %lt3A_683 : vector<16xi1>
    %add3A_685 = arith.constant 1 : i32
    %add3A_686 = vector.broadcast %add3A_685 : i32 to vector<16xi32>
    %add3A_687 = arith.addi %get3A_677, %add3A_686 : vector<16xi32>
    %jit3A_688 = arith.constant -1 : i32
    %broadcast_in_dim3A_689 = vector.broadcast %jit3A_688 : i32 to vector<16xi32>
    %select_n3A_690 = arith.select %and3A_684, %add3A_687, %broadcast_in_dim3A_689 : vector<16xi1>, vector<16xi32>
    %swap3A_691 = arith.constant 544 : index
    %swap3A_692 = tpu.vector_load %arg4[%swap3A_691] {strides = array<i32>} : memref<1024xi32, #tpu.memory_space<vmem>>, vector<16xi32>,
    %swap3A_693 = vector.shape_cast %swap3A_692 : vector<16xi32> to vector<16xi32>
    %swap3A_694 = vector.shape_cast %select_n3A_690 : vector<16xi32> to vector<16xi32>
    tpu.vector_store %arg4[%swap3A_691], %swap3A_694 {strides = array<i32>} : memref<1024xi32, #tpu.memory_space<vmem>>, vector<16xi32>,
    %get3A_695 = arith.constant 560 : index
    %get3A_696 = tpu.vector_load %arg4[%get3A_695] {strides = array<i32>} : memref<1024xi32, #tpu.memory_space<vmem>>, vector<16xi32>,
    %get3A_697 = vector.shape_cast %get3A_696 : vector<16xi32> to vector<16xi32>
    %ge3A_698 = arith.constant 0 : i32
    %ge3A_699 = vector.broadcast %ge3A_698 : i32 to vector<16xi32>
    %ge3A_700 = arith.cmpi sge, %get3A_697, %ge3A_699 : vector<16xi32>
    %lt3A_701 = arith.constant 3 : i32
    %lt3A_702 = vector.broadcast %lt3A_701 : i32 to vector<16xi32>
    %lt3A_703 = arith.cmpi slt, %get3A_697, %lt3A_702 : vector<16xi32>
    %and3A_704 = arith.andi %ge3A_700, %lt3A_703 : vector<16xi1>
    %add3A_705 = arith.constant 1 : i32
    %add3A_706 = vector.broadcast %add3A_705 : i32 to vector<16xi32>
    %add3A_707 = arith.addi %get3A_697, %add3A_706 : vector<16xi32>
    %jit3A_708 = arith.constant -1 : i32
    %broadcast_in_dim3A_709 = vector.broadcast %jit3A_708 : i32 to vector<16xi32>
    %select_n3A_710 = arith.select %and3A_704, %add3A_707, %broadcast_in_dim3A_709 : vector<16xi1>, vector<16xi32>
    %swap3A_711 = arith.constant 560 : index
    %swap3A_712 = tpu.vector_load %arg4[%swap3A_711] {strides = array<i32>} : memref<1024xi32, #tpu.memory_space<vmem>>, vector<16xi32>,
    %swap3A_713 = vector.shape_cast %swap3A_712 : vector<16xi32> to vector<16xi32>
    %swap3A_714 = vector.shape_cast %select_n3A_710 : vector<16xi32> to vector<16xi32>
    tpu.vector_store %arg4[%swap3A_711], %swap3A_714 {strides = array<i32>} : memref<1024xi32, #tpu.memory_space<vmem>>, vector<16xi32>,
    %get3A_715 = arith.constant 576 : index
    %get3A_716 = tpu.vector_load %arg4[%get3A_715] {strides = array<i32>} : memref<1024xi32, #tpu.memory_space<vmem>>, vector<16xi32>,
    %get3A_717 = vector.shape_cast %get3A_716 : vector<16xi32> to vector<16xi32>
    %ge3A_718 = arith.constant 0 : i32
    %ge3A_719 = vector.broadcast %ge3A_718 : i32 to vector<16xi32>
    %ge3A_720 = arith.cmpi sge, %get3A_717, %ge3A_719 : vector<16xi32>
    %lt3A_721 = arith.constant 3 : i32
    %lt3A_722 = vector.broadcast %lt3A_721 : i32 to vector<16xi32>
    %lt3A_723 = arith.cmpi slt, %get3A_717, %lt3A_722 : vector<16xi32>
    %and3A_724 = arith.andi %ge3A_720, %lt3A_723 : vector<16xi1>
    %add3A_725 = arith.constant 1 : i32
    %add3A_726 = vector.broadcast %add3A_725 : i32 to vector<16xi32>
    %add3A_727 = arith.addi %get3A_717, %add3A_726 : vector<16xi32>
    %jit3A_728 = arith.constant -1 : i32
    %broadcast_in_dim3A_729 = vector.broadcast %jit3A_728 : i32 to vector<16xi32>
    %select_n3A_730 = arith.select %and3A_724, %add3A_727, %broadcast_in_dim3A_729 : vector<16xi1>, vector<16xi32>
    %swap3A_731 = arith.constant 576 : index
    %swap3A_732 = tpu.vector_load %arg4[%swap3A_731] {strides = array<i32>} : memref<1024xi32, #tpu.memory_space<vmem>>, vector<16xi32>,
    %swap3A_733 = vector.shape_cast %swap3A_732 : vector<16xi32> to vector<16xi32>
    %swap3A_734 = vector.shape_cast %select_n3A_730 : vector<16xi32> to vector<16xi32>
    tpu.vector_store %arg4[%swap3A_731], %swap3A_734 {strides = array<i32>} : memref<1024xi32, #tpu.memory_space<vmem>>, vector<16xi32>,
    %get3A_735 = arith.constant 592 : index
    %get3A_736 = tpu.vector_load %arg4[%get3A_735] {strides = array<i32>} : memref<1024xi32, #tpu.memory_space<vmem>>, vector<16xi32>,
    %get3A_737 = vector.shape_cast %get3A_736 : vector<16xi32> to vector<16xi32>
    %ge3A_738 = arith.constant 0 : i32
    %ge3A_739 = vector.broadcast %ge3A_738 : i32 to vector<16xi32>
    %ge3A_740 = arith.cmpi sge, %get3A_737, %ge3A_739 : vector<16xi32>
    %lt3A_741 = arith.constant 3 : i32
    %lt3A_742 = vector.broadcast %lt3A_741 : i32 to vector<16xi32>
    %lt3A_743 = arith.cmpi slt, %get3A_737, %lt3A_742 : vector<16xi32>
    %and3A_744 = arith.andi %ge3A_740, %lt3A_743 : vector<16xi1>
    %add3A_745 = arith.constant 1 : i32
    %add3A_746 = vector.broadcast %add3A_745 : i32 to vector<16xi32>
    %add3A_747 = arith.addi %get3A_737, %add3A_746 : vector<16xi32>
    %jit3A_748 = arith.constant -1 : i32
    %broadcast_in_dim3A_749 = vector.broadcast %jit3A_748 : i32 to vector<16xi32>
    %select_n3A_750 = arith.select %and3A_744, %add3A_747, %broadcast_in_dim3A_749 : vector<16xi1>, vector<16xi32>
    %swap3A_751 = arith.constant 592 : index
    %swap3A_752 = tpu.vector_load %arg4[%swap3A_751] {strides = array<i32>} : memref<1024xi32, #tpu.memory_space<vmem>>, vector<16xi32>,
    %swap3A_753 = vector.shape_cast %swap3A_752 : vector<16xi32> to vector<16xi32>
    %swap3A_754 = vector.shape_cast %select_n3A_750 : vector<16xi32> to vector<16xi32>
    tpu.vector_store %arg4[%swap3A_751], %swap3A_754 {strides = array<i32>} : memref<1024xi32, #tpu.memory_space<vmem>>, vector<16xi32>,
    %get3A_755 = arith.constant 608 : index
    %get3A_756 = tpu.vector_load %arg4[%get3A_755] {strides = array<i32>} : memref<1024xi32, #tpu.memory_space<vmem>>, vector<16xi32>,
    %get3A_757 = vector.shape_cast %get3A_756 : vector<16xi32> to vector<16xi32>
    %ge3A_758 = arith.constant 0 : i32
    %ge3A_759 = vector.broadcast %ge3A_758 : i32 to vector<16xi32>
    %ge3A_760 = arith.cmpi sge, %get3A_757, %ge3A_759 : vector<16xi32>
    %lt3A_761 = arith.constant 3 : i32
    %lt3A_762 = vector.broadcast %lt3A_761 : i32 to vector<16xi32>
    %lt3A_763 = arith.cmpi slt, %get3A_757, %lt3A_762 : vector<16xi32>
    %and3A_764 = arith.andi %ge3A_760, %lt3A_763 : vector<16xi1>
    %add3A_765 = arith.constant 1 : i32
    %add3A_766 = vector.broadcast %add3A_765 : i32 to vector<16xi32>
    %add3A_767 = arith.addi %get3A_757, %add3A_766 : vector<16xi32>
    %jit3A_768 = arith.constant -1 : i32
    %broadcast_in_dim3A_769 = vector.broadcast %jit3A_768 : i32 to vector<16xi32>
    %select_n3A_770 = arith.select %and3A_764, %add3A_767, %broadcast_in_dim3A_769 : vector<16xi1>, vector<16xi32>
    %swap3A_771 = arith.constant 608 : index
    %swap3A_772 = tpu.vector_load %arg4[%swap3A_771] {strides = array<i32>} : memref<1024xi32, #tpu.memory_space<vmem>>, vector<16xi32>,
    %swap3A_773 = vector.shape_cast %swap3A_772 : vector<16xi32> to vector<16xi32>
    %swap3A_774 = vector.shape_cast %select_n3A_770 : vector<16xi32> to vector<16xi32>
    tpu.vector_store %arg4[%swap3A_771], %swap3A_774 {strides = array<i32>} : memref<1024xi32, #tpu.memory_space<vmem>>, vector<16xi32>,
    %get3A_775 = arith.constant 624 : index
    %get3A_776 = tpu.vector_load %arg4[%get3A_775] {strides = array<i32>} : memref<1024xi32, #tpu.memory_space<vmem>>, vector<16xi32>,
    %get3A_777 = vector.shape_cast %get3A_776 : vector<16xi32> to vector<16xi32>
    %ge3A_778 = arith.constant 0 : i32
    %ge3A_779 = vector.broadcast %ge3A_778 : i32 to vector<16xi32>
    %ge3A_780 = arith.cmpi sge, %get3A_777, %ge3A_779 : vector<16xi32>
    %lt3A_781 = arith.constant 3 : i32
    %lt3A_782 = vector.broadcast %lt3A_781 : i32 to vector<16xi32>
    %lt3A_783 = arith.cmpi slt, %get3A_777, %lt3A_782 : vector<16xi32>
    %and3A_784 = arith.andi %ge3A_780, %lt3A_783 : vector<16xi1>
    %add3A_785 = arith.constant 1 : i32
    %add3A_786 = vector.broadcast %add3A_785 : i32 to vector<16xi32>
    %add3A_787 = arith.addi %get3A_777, %add3A_786 : vector<16xi32>
    %jit3A_788 = arith.constant -1 : i32
    %broadcast_in_dim3A_789 = vector.broadcast %jit3A_788 : i32 to vector<16xi32>
    %select_n3A_790 = arith.select %and3A_784, %add3A_787, %broadcast_in_dim3A_789 : vector<16xi1>, vector<16xi32>
    %swap3A_791 = arith.constant 624 : index
    %swap3A_792 = tpu.vector_load %arg4[%swap3A_791] {strides = array<i32>} : memref<1024xi32, #tpu.memory_space<vmem>>, vector<16xi32>,
    %swap3A_793 = vector.shape_cast %swap3A_792 : vector<16xi32> to vector<16xi32>
    %swap3A_794 = vector.shape_cast %select_n3A_790 : vector<16xi32> to vector<16xi32>
    tpu.vector_store %arg4[%swap3A_791], %swap3A_794 {strides = array<i32>} : memref<1024xi32, #tpu.memory_space<vmem>>, vector<16xi32>,
    %get3A_795 = arith.constant 640 : index
    %get3A_796 = tpu.vector_load %arg4[%get3A_795] {strides = array<i32>} : memref<1024xi32, #tpu.memory_space<vmem>>, vector<16xi32>,
    %get3A_797 = vector.shape_cast %get3A_796 : vector<16xi32> to vector<16xi32>
    %ge3A_798 = arith.constant 0 : i32
    %ge3A_799 = vector.broadcast %ge3A_798 : i32 to vector<16xi32>
    %ge3A_800 = arith.cmpi sge, %get3A_797, %ge3A_799 : vector<16xi32>
    %lt3A_801 = arith.constant 3 : i32
    %lt3A_802 = vector.broadcast %lt3A_801 : i32 to vector<16xi32>
    %lt3A_803 = arith.cmpi slt, %get3A_797, %lt3A_802 : vector<16xi32>
    %and3A_804 = arith.andi %ge3A_800, %lt3A_803 : vector<16xi1>
    %add3A_805 = arith.constant 1 : i32
    %add3A_806 = vector.broadcast %add3A_805 : i32 to vector<16xi32>
    %add3A_807 = arith.addi %get3A_797, %add3A_806 : vector<16xi32>
    %jit3A_808 = arith.constant -1 : i32
    %broadcast_in_dim3A_809 = vector.broadcast %jit3A_808 : i32 to vector<16xi32>
    %select_n3A_810 = arith.select %and3A_804, %add3A_807, %broadcast_in_dim3A_809 : vector<16xi1>, vector<16xi32>
    %swap3A_811 = arith.constant 640 : index
    %swap3A_812 = tpu.vector_load %arg4[%swap3A_811] {strides = array<i32>} : memref<1024xi32, #tpu.memory_space<vmem>>, vector<16xi32>,
    %swap3A_813 = vector.shape_cast %swap3A_812 : vector<16xi32> to vector<16xi32>
    %swap3A_814 = vector.shape_cast %select_n3A_810 : vector<16xi32> to vector<16xi32>
    tpu.vector_store %arg4[%swap3A_811], %swap3A_814 {strides = array<i32>} : memref<1024xi32, #tpu.memory_space<vmem>>, vector<16xi32>,
    %get3A_815 = arith.constant 656 : index
    %get3A_816 = tpu.vector_load %arg4[%get3A_815] {strides = array<i32>} : memref<1024xi32, #tpu.memory_space<vmem>>, vector<16xi32>,
    %get3A_817 = vector.shape_cast %get3A_816 : vector<16xi32> to vector<16xi32>
    %ge3A_818 = arith.constant 0 : i32
    %ge3A_819 = vector.broadcast %ge3A_818 : i32 to vector<16xi32>
    %ge3A_820 = arith.cmpi sge, %get3A_817, %ge3A_819 : vector<16xi32>
    %lt3A_821 = arith.constant 3 : i32
    %lt3A_822 = vector.broadcast %lt3A_821 : i32 to vector<16xi32>
    %lt3A_823 = arith.cmpi slt, %get3A_817, %lt3A_822 : vector<16xi32>
    %and3A_824 = arith.andi %ge3A_820, %lt3A_823 : vector<16xi1>
    %add3A_825 = arith.constant 1 : i32
    %add3A_826 = vector.broadcast %add3A_825 : i32 to vector<16xi32>
    %add3A_827 = arith.addi %get3A_817, %add3A_826 : vector<16xi32>
    %jit3A_828 = arith.constant -1 : i32
    %broadcast_in_dim3A_829 = vector.broadcast %jit3A_828 : i32 to vector<16xi32>
    %select_n3A_830 = arith.select %and3A_824, %add3A_827, %broadcast_in_dim3A_829 : vector<16xi1>, vector<16xi32>
    %swap3A_831 = arith.constant 656 : index
    %swap3A_832 = tpu.vector_load %arg4[%swap3A_831] {strides = array<i32>} : memref<1024xi32, #tpu.memory_space<vmem>>, vector<16xi32>,
    %swap3A_833 = vector.shape_cast %swap3A_832 : vector<16xi32> to vector<16xi32>
    %swap3A_834 = vector.shape_cast %select_n3A_830 : vector<16xi32> to vector<16xi32>
    tpu.vector_store %arg4[%swap3A_831], %swap3A_834 {strides = array<i32>} : memref<1024xi32, #tpu.memory_space<vmem>>, vector<16xi32>,
    %get3A_835 = arith.constant 672 : index
    %get3A_836 = tpu.vector_load %arg4[%get3A_835] {strides = array<i32>} : memref<1024xi32, #tpu.memory_space<vmem>>, vector<16xi32>,
    %get3A_837 = vector.shape_cast %get3A_836 : vector<16xi32> to vector<16xi32>
    %ge3A_838 = arith.constant 0 : i32
    %ge3A_839 = vector.broadcast %ge3A_838 : i32 to vector<16xi32>
    %ge3A_840 = arith.cmpi sge, %get3A_837, %ge3A_839 : vector<16xi32>
    %lt3A_841 = arith.constant 3 : i32
    %lt3A_842 = vector.broadcast %lt3A_841 : i32 to vector<16xi32>
    %lt3A_843 = arith.cmpi slt, %get3A_837, %lt3A_842 : vector<16xi32>
    %and3A_844 = arith.andi %ge3A_840, %lt3A_843 : vector<16xi1>
    %add3A_845 = arith.constant 1 : i32
    %add3A_846 = vector.broadcast %add3A_845 : i32 to vector<16xi32>
    %add3A_847 = arith.addi %get3A_837, %add3A_846 : vector<16xi32>
    %jit3A_848 = arith.constant -1 : i32
    %broadcast_in_dim3A_849 = vector.broadcast %jit3A_848 : i32 to vector<16xi32>
    %select_n3A_850 = arith.select %and3A_844, %add3A_847, %broadcast_in_dim3A_849 : vector<16xi1>, vector<16xi32>
    %swap3A_851 = arith.constant 672 : index
    %swap3A_852 = tpu.vector_load %arg4[%swap3A_851] {strides = array<i32>} : memref<1024xi32, #tpu.memory_space<vmem>>, vector<16xi32>,
    %swap3A_853 = vector.shape_cast %swap3A_852 : vector<16xi32> to vector<16xi32>
    %swap3A_854 = vector.shape_cast %select_n3A_850 : vector<16xi32> to vector<16xi32>
    tpu.vector_store %arg4[%swap3A_851], %swap3A_854 {strides = array<i32>} : memref<1024xi32, #tpu.memory_space<vmem>>, vector<16xi32>,
    %get3A_855 = arith.constant 688 : index
    %get3A_856 = tpu.vector_load %arg4[%get3A_855] {strides = array<i32>} : memref<1024xi32, #tpu.memory_space<vmem>>, vector<16xi32>,
    %get3A_857 = vector.shape_cast %get3A_856 : vector<16xi32> to vector<16xi32>
    %ge3A_858 = arith.constant 0 : i32
    %ge3A_859 = vector.broadcast %ge3A_858 : i32 to vector<16xi32>
    %ge3A_860 = arith.cmpi sge, %get3A_857, %ge3A_859 : vector<16xi32>
    %lt3A_861 = arith.constant 3 : i32
    %lt3A_862 = vector.broadcast %lt3A_861 : i32 to vector<16xi32>
    %lt3A_863 = arith.cmpi slt, %get3A_857, %lt3A_862 : vector<16xi32>
    %and3A_864 = arith.andi %ge3A_860, %lt3A_863 : vector<16xi1>
    %add3A_865 = arith.constant 1 : i32
    %add3A_866 = vector.broadcast %add3A_865 : i32 to vector<16xi32>
    %add3A_867 = arith.addi %get3A_857, %add3A_866 : vector<16xi32>
    %jit3A_868 = arith.constant -1 : i32
    %broadcast_in_dim3A_869 = vector.broadcast %jit3A_868 : i32 to vector<16xi32>
    %select_n3A_870 = arith.select %and3A_864, %add3A_867, %broadcast_in_dim3A_869 : vector<16xi1>, vector<16xi32>
    %swap3A_871 = arith.constant 688 : index
    %swap3A_872 = tpu.vector_load %arg4[%swap3A_871] {strides = array<i32>} : memref<1024xi32, #tpu.memory_space<vmem>>, vector<16xi32>,
    %swap3A_873 = vector.shape_cast %swap3A_872 : vector<16xi32> to vector<16xi32>
    %swap3A_874 = vector.shape_cast %select_n3A_870 : vector<16xi32> to vector<16xi32>
    tpu.vector_store %arg4[%swap3A_871], %swap3A_874 {strides = array<i32>} : memref<1024xi32, #tpu.memory_space<vmem>>, vector<16xi32>,
    %get3A_875 = arith.constant 704 : index
    %get3A_876 = tpu.vector_load %arg4[%get3A_875] {strides = array<i32>} : memref<1024xi32, #tpu.memory_space<vmem>>, vector<16xi32>,
    %get3A_877 = vector.shape_cast %get3A_876 : vector<16xi32> to vector<16xi32>
    %ge3A_878 = arith.constant 0 : i32
    %ge3A_879 = vector.broadcast %ge3A_878 : i32 to vector<16xi32>
    %ge3A_880 = arith.cmpi sge, %get3A_877, %ge3A_879 : vector<16xi32>
    %lt3A_881 = arith.constant 3 : i32
    %lt3A_882 = vector.broadcast %lt3A_881 : i32 to vector<16xi32>
    %lt3A_883 = arith.cmpi slt, %get3A_877, %lt3A_882 : vector<16xi32>
    %and3A_884 = arith.andi %ge3A_880, %lt3A_883 : vector<16xi1>
    %add3A_885 = arith.constant 1 : i32
    %add3A_886 = vector.broadcast %add3A_885 : i32 to vector<16xi32>
    %add3A_887 = arith.addi %get3A_877, %add3A_886 : vector<16xi32>
    %jit3A_888 = arith.constant -1 : i32
    %broadcast_in_dim3A_889 = vector.broadcast %jit3A_888 : i32 to vector<16xi32>
    %select_n3A_890 = arith.select %and3A_884, %add3A_887, %broadcast_in_dim3A_889 : vector<16xi1>, vector<16xi32>
    %swap3A_891 = arith.constant 704 : index
    %swap3A_892 = tpu.vector_load %arg4[%swap3A_891] {strides = array<i32>} : memref<1024xi32, #tpu.memory_space<vmem>>, vector<16xi32>,
    %swap3A_893 = vector.shape_cast %swap3A_892 : vector<16xi32> to vector<16xi32>
    %swap3A_894 = vector.shape_cast %select_n3A_890 : vector<16xi32> to vector<16xi32>
    tpu.vector_store %arg4[%swap3A_891], %swap3A_894 {strides = array<i32>} : memref<1024xi32, #tpu.memory_space<vmem>>, vector<16xi32>,
    %get3A_895 = arith.constant 720 : index
    %get3A_896 = tpu.vector_load %arg4[%get3A_895] {strides = array<i32>} : memref<1024xi32, #tpu.memory_space<vmem>>, vector<16xi32>,
    %get3A_897 = vector.shape_cast %get3A_896 : vector<16xi32> to vector<16xi32>
    %ge3A_898 = arith.constant 0 : i32
    %ge3A_899 = vector.broadcast %ge3A_898 : i32 to vector<16xi32>
    %ge3A_900 = arith.cmpi sge, %get3A_897, %ge3A_899 : vector<16xi32>
    %lt3A_901 = arith.constant 3 : i32
    %lt3A_902 = vector.broadcast %lt3A_901 : i32 to vector<16xi32>
    %lt3A_903 = arith.cmpi slt, %get3A_897, %lt3A_902 : vector<16xi32>
    %and3A_904 = arith.andi %ge3A_900, %lt3A_903 : vector<16xi1>
    %add3A_905 = arith.constant 1 : i32
    %add3A_906 = vector.broadcast %add3A_905 : i32 to vector<16xi32>
    %add3A_907 = arith.addi %get3A_897, %add3A_906 : vector<16xi32>
    %jit3A_908 = arith.constant -1 : i32
    %broadcast_in_dim3A_909 = vector.broadcast %jit3A_908 : i32 to vector<16xi32>
    %select_n3A_910 = arith.select %and3A_904, %add3A_907, %broadcast_in_dim3A_909 : vector<16xi1>, vector<16xi32>
    %swap3A_911 = arith.constant 720 : index
    %swap3A_912 = tpu.vector_load %arg4[%swap3A_911] {strides = array<i32>} : memref<1024xi32, #tpu.memory_space<vmem>>, vector<16xi32>,
    %swap3A_913 = vector.shape_cast %swap3A_912 : vector<16xi32> to vector<16xi32>
    %swap3A_914 = vector.shape_cast %select_n3A_910 : vector<16xi32> to vector<16xi32>
    tpu.vector_store %arg4[%swap3A_911], %swap3A_914 {strides = array<i32>} : memref<1024xi32, #tpu.memory_space<vmem>>, vector<16xi32>,
    %get3A_915 = arith.constant 736 : index
    %get3A_916 = tpu.vector_load %arg4[%get3A_915] {strides = array<i32>} : memref<1024xi32, #tpu.memory_space<vmem>>, vector<16xi32>,
    %get3A_917 = vector.shape_cast %get3A_916 : vector<16xi32> to vector<16xi32>
    %ge3A_918 = arith.constant 0 : i32
    %ge3A_919 = vector.broadcast %ge3A_918 : i32 to vector<16xi32>
    %ge3A_920 = arith.cmpi sge, %get3A_917, %ge3A_919 : vector<16xi32>
    %lt3A_921 = arith.constant 3 : i32
    %lt3A_922 = vector.broadcast %lt3A_921 : i32 to vector<16xi32>
    %lt3A_923 = arith.cmpi slt, %get3A_917, %lt3A_922 : vector<16xi32>
    %and3A_924 = arith.andi %ge3A_920, %lt3A_923 : vector<16xi1>
    %add3A_925 = arith.constant 1 : i32
    %add3A_926 = vector.broadcast %add3A_925 : i32 to vector<16xi32>
    %add3A_927 = arith.addi %get3A_917, %add3A_926 : vector<16xi32>
    %jit3A_928 = arith.constant -1 : i32
    %broadcast_in_dim3A_929 = vector.broadcast %jit3A_928 : i32 to vector<16xi32>
    %select_n3A_930 = arith.select %and3A_924, %add3A_927, %broadcast_in_dim3A_929 : vector<16xi1>, vector<16xi32>
    %swap3A_931 = arith.constant 736 : index
    %swap3A_932 = tpu.vector_load %arg4[%swap3A_931] {strides = array<i32>} : memref<1024xi32, #tpu.memory_space<vmem>>, vector<16xi32>,
    %swap3A_933 = vector.shape_cast %swap3A_932 : vector<16xi32> to vector<16xi32>
    %swap3A_934 = vector.shape_cast %select_n3A_930 : vector<16xi32> to vector<16xi32>
    tpu.vector_store %arg4[%swap3A_931], %swap3A_934 {strides = array<i32>} : memref<1024xi32, #tpu.memory_space<vmem>>, vector<16xi32>,
    %get3A_935 = arith.constant 752 : index
    %get3A_936 = tpu.vector_load %arg4[%get3A_935] {strides = array<i32>} : memref<1024xi32, #tpu.memory_space<vmem>>, vector<16xi32>,
    %get3A_937 = vector.shape_cast %get3A_936 : vector<16xi32> to vector<16xi32>
    %ge3A_938 = arith.constant 0 : i32
    %ge3A_939 = vector.broadcast %ge3A_938 : i32 to vector<16xi32>
    %ge3A_940 = arith.cmpi sge, %get3A_937, %ge3A_939 : vector<16xi32>
    %lt3A_941 = arith.constant 3 : i32
    %lt3A_942 = vector.broadcast %lt3A_941 : i32 to vector<16xi32>
    %lt3A_943 = arith.cmpi slt, %get3A_937, %lt3A_942 : vector<16xi32>
    %and3A_944 = arith.andi %ge3A_940, %lt3A_943 : vector<16xi1>
    %add3A_945 = arith.constant 1 : i32
    %add3A_946 = vector.broadcast %add3A_945 : i32 to vector<16xi32>
    %add3A_947 = arith.addi %get3A_937, %add3A_946 : vector<16xi32>
    %jit3A_948 = arith.constant -1 : i32
    %broadcast_in_dim3A_949 = vector.broadcast %jit3A_948 : i32 to vector<16xi32>
    %select_n3A_950 = arith.select %and3A_944, %add3A_947, %broadcast_in_dim3A_949 : vector<16xi1>, vector<16xi32>
    %swap3A_951 = arith.constant 752 : index
    %swap3A_952 = tpu.vector_load %arg4[%swap3A_951] {strides = array<i32>} : memref<1024xi32, #tpu.memory_space<vmem>>, vector<16xi32>,
    %swap3A_953 = vector.shape_cast %swap3A_952 : vector<16xi32> to vector<16xi32>
    %swap3A_954 = vector.shape_cast %select_n3A_950 : vector<16xi32> to vector<16xi32>
    tpu.vector_store %arg4[%swap3A_951], %swap3A_954 {strides = array<i32>} : memref<1024xi32, #tpu.memory_space<vmem>>, vector<16xi32>,
    %get3A_955 = arith.constant 768 : index
    %get3A_956 = tpu.vector_load %arg4[%get3A_955] {strides = array<i32>} : memref<1024xi32, #tpu.memory_space<vmem>>, vector<16xi32>,
    %get3A_957 = vector.shape_cast %get3A_956 : vector<16xi32> to vector<16xi32>
    %ge3A_958 = arith.constant 0 : i32
    %ge3A_959 = vector.broadcast %ge3A_958 : i32 to vector<16xi32>
    %ge3A_960 = arith.cmpi sge, %get3A_957, %ge3A_959 : vector<16xi32>
    %lt3A_961 = arith.constant 3 : i32
    %lt3A_962 = vector.broadcast %lt3A_961 : i32 to vector<16xi32>
    %lt3A_963 = arith.cmpi slt, %get3A_957, %lt3A_962 : vector<16xi32>
    %and3A_964 = arith.andi %ge3A_960, %lt3A_963 : vector<16xi1>
    %add3A_965 = arith.constant 1 : i32
    %add3A_966 = vector.broadcast %add3A_965 : i32 to vector<16xi32>
    %add3A_967 = arith.addi %get3A_957, %add3A_966 : vector<16xi32>
    %jit3A_968 = arith.constant -1 : i32
    %broadcast_in_dim3A_969 = vector.broadcast %jit3A_968 : i32 to vector<16xi32>
    %select_n3A_970 = arith.select %and3A_964, %add3A_967, %broadcast_in_dim3A_969 : vector<16xi1>, vector<16xi32>
    %swap3A_971 = arith.constant 768 : index
    %swap3A_972 = tpu.vector_load %arg4[%swap3A_971] {strides = array<i32>} : memref<1024xi32, #tpu.memory_space<vmem>>, vector<16xi32>,
    %swap3A_973 = vector.shape_cast %swap3A_972 : vector<16xi32> to vector<16xi32>
    %swap3A_974 = vector.shape_cast %select_n3A_970 : vector<16xi32> to vector<16xi32>
    tpu.vector_store %arg4[%swap3A_971], %swap3A_974 {strides = array<i32>} : memref<1024xi32, #tpu.memory_space<vmem>>, vector<16xi32>,
    %get3A_975 = arith.constant 784 : index
    %get3A_976 = tpu.vector_load %arg4[%get3A_975] {strides = array<i32>} : memref<1024xi32, #tpu.memory_space<vmem>>, vector<16xi32>,
    %get3A_977 = vector.shape_cast %get3A_976 : vector<16xi32> to vector<16xi32>
    %ge3A_978 = arith.constant 0 : i32
    %ge3A_979 = vector.broadcast %ge3A_978 : i32 to vector<16xi32>
    %ge3A_980 = arith.cmpi sge, %get3A_977, %ge3A_979 : vector<16xi32>
    %lt3A_981 = arith.constant 3 : i32
    %lt3A_982 = vector.broadcast %lt3A_981 : i32 to vector<16xi32>
    %lt3A_983 = arith.cmpi slt, %get3A_977, %lt3A_982 : vector<16xi32>
    %and3A_984 = arith.andi %ge3A_980, %lt3A_983 : vector<16xi1>
    %add3A_985 = arith.constant 1 : i32
    %add3A_986 = vector.broadcast %add3A_985 : i32 to vector<16xi32>
    %add3A_987 = arith.addi %get3A_977, %add3A_986 : vector<16xi32>
    %jit3A_988 = arith.constant -1 : i32
    %broadcast_in_dim3A_989 = vector.broadcast %jit3A_988 : i32 to vector<16xi32>
    %select_n3A_990 = arith.select %and3A_984, %add3A_987, %broadcast_in_dim3A_989 : vector<16xi1>, vector<16xi32>
    %swap3A_991 = arith.constant 784 : index
    %swap3A_992 = tpu.vector_load %arg4[%swap3A_991] {strides = array<i32>} : memref<1024xi32, #tpu.memory_space<vmem>>, vector<16xi32>,
    %swap3A_993 = vector.shape_cast %swap3A_992 : vector<16xi32> to vector<16xi32>
    %swap3A_994 = vector.shape_cast %select_n3A_990 : vector<16xi32> to vector<16xi32>
    tpu.vector_store %arg4[%swap3A_991], %swap3A_994 {strides = array<i32>} : memref<1024xi32, #tpu.memory_space<vmem>>, vector<16xi32>,
    %get3A_995 = arith.constant 800 : index
    %get3A_996 = tpu.vector_load %arg4[%get3A_995] {strides = array<i32>} : memref<1024xi32, #tpu.memory_space<vmem>>, vector<16xi32>,
    %get3A_997 = vector.shape_cast %get3A_996 : vector<16xi32> to vector<16xi32>
    %ge3A_998 = arith.constant 0 : i32
    %ge3A_999 = vector.broadcast %ge3A_998 : i32 to vector<16xi32>
    %ge3A_1000 = arith.cmpi sge, %get3A_997, %ge3A_999 : vector<16xi32>
    %lt3A_1001 = arith.constant 3 : i32
    %lt3A_1002 = vector.broadcast %lt3A_1001 : i32 to vector<16xi32>
    %lt3A_1003 = arith.cmpi slt, %get3A_997, %lt3A_1002 : vector<16xi32>
    %and3A_1004 = arith.andi %ge3A_1000, %lt3A_1003 : vector<16xi1>
    %add3A_1005 = arith.constant 1 : i32
    %add3A_1006 = vector.broadcast %add3A_1005 : i32 to vector<16xi32>
    %add3A_1007 = arith.addi %get3A_997, %add3A_1006 : vector<16xi32>
    %jit3A_1008 = arith.constant -1 : i32
    %broadcast_in_dim3A_1009 = vector.broadcast %jit3A_1008 : i32 to vector<16xi32>
    %select_n3A_1010 = arith.select %and3A_1004, %add3A_1007, %broadcast_in_dim3A_1009 : vector<16xi1>, vector<16xi32>
    %swap3A_1011 = arith.constant 800 : index
    %swap3A_1012 = tpu.vector_load %arg4[%swap3A_1011] {strides = array<i32>} : memref<1024xi32, #tpu.memory_space<vmem>>, vector<16xi32>,
    %swap3A_1013 = vector.shape_cast %swap3A_1012 : vector<16xi32> to vector<16xi32>
    %swap3A_1014 = vector.shape_cast %select_n3A_1010 : vector<16xi32> to vector<16xi32>
    tpu.vector_store %arg4[%swap3A_1011], %swap3A_1014 {strides = array<i32>} : memref<1024xi32, #tpu.memory_space<vmem>>, vector<16xi32>,
    %get3A_1015 = arith.constant 816 : index
    %get3A_1016 = tpu.vector_load %arg4[%get3A_1015] {strides = array<i32>} : memref<1024xi32, #tpu.memory_space<vmem>>, vector<16xi32>,
    %get3A_1017 = vector.shape_cast %get3A_1016 : vector<16xi32> to vector<16xi32>
    %ge3A_1018 = arith.constant 0 : i32
    %ge3A_1019 = vector.broadcast %ge3A_1018 : i32 to vector<16xi32>
    %ge3A_1020 = arith.cmpi sge, %get3A_1017, %ge3A_1019 : vector<16xi32>
    %lt3A_1021 = arith.constant 3 : i32
    %lt3A_1022 = vector.broadcast %lt3A_1021 : i32 to vector<16xi32>
    %lt3A_1023 = arith.cmpi slt, %get3A_1017, %lt3A_1022 : vector<16xi32>
    %and3A_1024 = arith.andi %ge3A_1020, %lt3A_1023 : vector<16xi1>
    %add3A_1025 = arith.constant 1 : i32
    %add3A_1026 = vector.broadcast %add3A_1025 : i32 to vector<16xi32>
    %add3A_1027 = arith.addi %get3A_1017, %add3A_1026 : vector<16xi32>
    %jit3A_1028 = arith.constant -1 : i32
    %broadcast_in_dim3A_1029 = vector.broadcast %jit3A_1028 : i32 to vector<16xi32>
    %select_n3A_1030 = arith.select %and3A_1024, %add3A_1027, %broadcast_in_dim3A_1029 : vector<16xi1>, vector<16xi32>
    %swap3A_1031 = arith.constant 816 : index
    %swap3A_1032 = tpu.vector_load %arg4[%swap3A_1031] {strides = array<i32>} : memref<1024xi32, #tpu.memory_space<vmem>>, vector<16xi32>,
    %swap3A_1033 = vector.shape_cast %swap3A_1032 : vector<16xi32> to vector<16xi32>
    %swap3A_1034 = vector.shape_cast %select_n3A_1030 : vector<16xi32> to vector<16xi32>
    tpu.vector_store %arg4[%swap3A_1031], %swap3A_1034 {strides = array<i32>} : memref<1024xi32, #tpu.memory_space<vmem>>, vector<16xi32>,
    %get3A_1035 = arith.constant 832 : index
    %get3A_1036 = tpu.vector_load %arg4[%get3A_1035] {strides = array<i32>} : memref<1024xi32, #tpu.memory_space<vmem>>, vector<16xi32>,
    %get3A_1037 = vector.shape_cast %get3A_1036 : vector<16xi32> to vector<16xi32>
    %ge3A_1038 = arith.constant 0 : i32
    %ge3A_1039 = vector.broadcast %ge3A_1038 : i32 to vector<16xi32>
    %ge3A_1040 = arith.cmpi sge, %get3A_1037, %ge3A_1039 : vector<16xi32>
    %lt3A_1041 = arith.constant 3 : i32
    %lt3A_1042 = vector.broadcast %lt3A_1041 : i32 to vector<16xi32>
    %lt3A_1043 = arith.cmpi slt, %get3A_1037, %lt3A_1042 : vector<16xi32>
    %and3A_1044 = arith.andi %ge3A_1040, %lt3A_1043 : vector<16xi1>
    %add3A_1045 = arith.constant 1 : i32
    %add3A_1046 = vector.broadcast %add3A_1045 : i32 to vector<16xi32>
    %add3A_1047 = arith.addi %get3A_1037, %add3A_1046 : vector<16xi32>
    %jit3A_1048 = arith.constant -1 : i32
    %broadcast_in_dim3A_1049 = vector.broadcast %jit3A_1048 : i32 to vector<16xi32>
    %select_n3A_1050 = arith.select %and3A_1044, %add3A_1047, %broadcast_in_dim3A_1049 : vector<16xi1>, vector<16xi32>
    %swap3A_1051 = arith.constant 832 : index
    %swap3A_1052 = tpu.vector_load %arg4[%swap3A_1051] {strides = array<i32>} : memref<1024xi32, #tpu.memory_space<vmem>>, vector<16xi32>,
    %swap3A_1053 = vector.shape_cast %swap3A_1052 : vector<16xi32> to vector<16xi32>
    %swap3A_1054 = vector.shape_cast %select_n3A_1050 : vector<16xi32> to vector<16xi32>
    tpu.vector_store %arg4[%swap3A_1051], %swap3A_1054 {strides = array<i32>} : memref<1024xi32, #tpu.memory_space<vmem>>, vector<16xi32>,
    %get3A_1055 = arith.constant 848 : index
    %get3A_1056 = tpu.vector_load %arg4[%get3A_1055] {strides = array<i32>} : memref<1024xi32, #tpu.memory_space<vmem>>, vector<16xi32>,
    %get3A_1057 = vector.shape_cast %get3A_1056 : vector<16xi32> to vector<16xi32>
    %ge3A_1058 = arith.constant 0 : i32
    %ge3A_1059 = vector.broadcast %ge3A_1058 : i32 to vector<16xi32>
    %ge3A_1060 = arith.cmpi sge, %get3A_1057, %ge3A_1059 : vector<16xi32>
    %lt3A_1061 = arith.constant 3 : i32
    %lt3A_1062 = vector.broadcast %lt3A_1061 : i32 to vector<16xi32>
    %lt3A_1063 = arith.cmpi slt, %get3A_1057, %lt3A_1062 : vector<16xi32>
    %and3A_1064 = arith.andi %ge3A_1060, %lt3A_1063 : vector<16xi1>
    %add3A_1065 = arith.constant 1 : i32
    %add3A_1066 = vector.broadcast %add3A_1065 : i32 to vector<16xi32>
    %add3A_1067 = arith.addi %get3A_1057, %add3A_1066 : vector<16xi32>
    %jit3A_1068 = arith.constant -1 : i32
    %broadcast_in_dim3A_1069 = vector.broadcast %jit3A_1068 : i32 to vector<16xi32>
    %select_n3A_1070 = arith.select %and3A_1064, %add3A_1067, %broadcast_in_dim3A_1069 : vector<16xi1>, vector<16xi32>
    %swap3A_1071 = arith.constant 848 : index
    %swap3A_1072 = tpu.vector_load %arg4[%swap3A_1071] {strides = array<i32>} : memref<1024xi32, #tpu.memory_space<vmem>>, vector<16xi32>,
    %swap3A_1073 = vector.shape_cast %swap3A_1072 : vector<16xi32> to vector<16xi32>
    %swap3A_1074 = vector.shape_cast %select_n3A_1070 : vector<16xi32> to vector<16xi32>
    tpu.vector_store %arg4[%swap3A_1071], %swap3A_1074 {strides = array<i32>} : memref<1024xi32, #tpu.memory_space<vmem>>, vector<16xi32>,
    %get3A_1075 = arith.constant 864 : index
    %get3A_1076 = tpu.vector_load %arg4[%get3A_1075] {strides = array<i32>} : memref<1024xi32, #tpu.memory_space<vmem>>, vector<16xi32>,
    %get3A_1077 = vector.shape_cast %get3A_1076 : vector<16xi32> to vector<16xi32>
    %ge3A_1078 = arith.constant 0 : i32
    %ge3A_1079 = vector.broadcast %ge3A_1078 : i32 to vector<16xi32>
    %ge3A_1080 = arith.cmpi sge, %get3A_1077, %ge3A_1079 : vector<16xi32>
    %lt3A_1081 = arith.constant 3 : i32
    %lt3A_1082 = vector.broadcast %lt3A_1081 : i32 to vector<16xi32>
    %lt3A_1083 = arith.cmpi slt, %get3A_1077, %lt3A_1082 : vector<16xi32>
    %and3A_1084 = arith.andi %ge3A_1080, %lt3A_1083 : vector<16xi1>
    %add3A_1085 = arith.constant 1 : i32
    %add3A_1086 = vector.broadcast %add3A_1085 : i32 to vector<16xi32>
    %add3A_1087 = arith.addi %get3A_1077, %add3A_1086 : vector<16xi32>
    %jit3A_1088 = arith.constant -1 : i32
    %broadcast_in_dim3A_1089 = vector.broadcast %jit3A_1088 : i32 to vector<16xi32>
    %select_n3A_1090 = arith.select %and3A_1084, %add3A_1087, %broadcast_in_dim3A_1089 : vector<16xi1>, vector<16xi32>
    %swap3A_1091 = arith.constant 864 : index
    %swap3A_1092 = tpu.vector_load %arg4[%swap3A_1091] {strides = array<i32>} : memref<1024xi32, #tpu.memory_space<vmem>>, vector<16xi32>,
    %swap3A_1093 = vector.shape_cast %swap3A_1092 : vector<16xi32> to vector<16xi32>
    %swap3A_1094 = vector.shape_cast %select_n3A_1090 : vector<16xi32> to vector<16xi32>
    tpu.vector_store %arg4[%swap3A_1091], %swap3A_1094 {strides = array<i32>} : memref<1024xi32, #tpu.memory_space<vmem>>, vector<16xi32>,
    %get3A_1095 = arith.constant 880 : index
    %get3A_1096 = tpu.vector_load %arg4[%get3A_1095] {strides = array<i32>} : memref<1024xi32, #tpu.memory_space<vmem>>, vector<16xi32>,
    %get3A_1097 = vector.shape_cast %get3A_1096 : vector<16xi32> to vector<16xi32>
    %ge3A_1098 = arith.constant 0 : i32
    %ge3A_1099 = vector.broadcast %ge3A_1098 : i32 to vector<16xi32>
    %ge3A_1100 = arith.cmpi sge, %get3A_1097, %ge3A_1099 : vector<16xi32>
    %lt3A_1101 = arith.constant 3 : i32
    %lt3A_1102 = vector.broadcast %lt3A_1101 : i32 to vector<16xi32>
    %lt3A_1103 = arith.cmpi slt, %get3A_1097, %lt3A_1102 : vector<16xi32>
    %and3A_1104 = arith.andi %ge3A_1100, %lt3A_1103 : vector<16xi1>
    %add3A_1105 = arith.constant 1 : i32
    %add3A_1106 = vector.broadcast %add3A_1105 : i32 to vector<16xi32>
    %add3A_1107 = arith.addi %get3A_1097, %add3A_1106 : vector<16xi32>
    %jit3A_1108 = arith.constant -1 : i32
    %broadcast_in_dim3A_1109 = vector.broadcast %jit3A_1108 : i32 to vector<16xi32>
    %select_n3A_1110 = arith.select %and3A_1104, %add3A_1107, %broadcast_in_dim3A_1109 : vector<16xi1>, vector<16xi32>
    %swap3A_1111 = arith.constant 880 : index
    %swap3A_1112 = tpu.vector_load %arg4[%swap3A_1111] {strides = array<i32>} : memref<1024xi32, #tpu.memory_space<vmem>>, vector<16xi32>,
    %swap3A_1113 = vector.shape_cast %swap3A_1112 : vector<16xi32> to vector<16xi32>
    %swap3A_1114 = vector.shape_cast %select_n3A_1110 : vector<16xi32> to vector<16xi32>
    tpu.vector_store %arg4[%swap3A_1111], %swap3A_1114 {strides = array<i32>} : memref<1024xi32, #tpu.memory_space<vmem>>, vector<16xi32>,
    %get3A_1115 = arith.constant 896 : index
    %get3A_1116 = tpu.vector_load %arg4[%get3A_1115] {strides = array<i32>} : memref<1024xi32, #tpu.memory_space<vmem>>, vector<16xi32>,
    %get3A_1117 = vector.shape_cast %get3A_1116 : vector<16xi32> to vector<16xi32>
    %ge3A_1118 = arith.constant 0 : i32
    %ge3A_1119 = vector.broadcast %ge3A_1118 : i32 to vector<16xi32>
    %ge3A_1120 = arith.cmpi sge, %get3A_1117, %ge3A_1119 : vector<16xi32>
    %lt3A_1121 = arith.constant 3 : i32
    %lt3A_1122 = vector.broadcast %lt3A_1121 : i32 to vector<16xi32>
    %lt3A_1123 = arith.cmpi slt, %get3A_1117, %lt3A_1122 : vector<16xi32>
    %and3A_1124 = arith.andi %ge3A_1120, %lt3A_1123 : vector<16xi1>
    %add3A_1125 = arith.constant 1 : i32
    %add3A_1126 = vector.broadcast %add3A_1125 : i32 to vector<16xi32>
    %add3A_1127 = arith.addi %get3A_1117, %add3A_1126 : vector<16xi32>
    %jit3A_1128 = arith.constant -1 : i32
    %broadcast_in_dim3A_1129 = vector.broadcast %jit3A_1128 : i32 to vector<16xi32>
    %select_n3A_1130 = arith.select %and3A_1124, %add3A_1127, %broadcast_in_dim3A_1129 : vector<16xi1>, vector<16xi32>
    %swap3A_1131 = arith.constant 896 : index
    %swap3A_1132 = tpu.vector_load %arg4[%swap3A_1131] {strides = array<i32>} : memref<1024xi32, #tpu.memory_space<vmem>>, vector<16xi32>,
    %swap3A_1133 = vector.shape_cast %swap3A_1132 : vector<16xi32> to vector<16xi32>
    %swap3A_1134 = vector.shape_cast %select_n3A_1130 : vector<16xi32> to vector<16xi32>
    tpu.vector_store %arg4[%swap3A_1131], %swap3A_1134 {strides = array<i32>} : memref<1024xi32, #tpu.memory_space<vmem>>, vector<16xi32>,
    %get3A_1135 = arith.constant 912 : index
    %get3A_1136 = tpu.vector_load %arg4[%get3A_1135] {strides = array<i32>} : memref<1024xi32, #tpu.memory_space<vmem>>, vector<16xi32>,
    %get3A_1137 = vector.shape_cast %get3A_1136 : vector<16xi32> to vector<16xi32>
    %ge3A_1138 = arith.constant 0 : i32
    %ge3A_1139 = vector.broadcast %ge3A_1138 : i32 to vector<16xi32>
    %ge3A_1140 = arith.cmpi sge, %get3A_1137, %ge3A_1139 : vector<16xi32>
    %lt3A_1141 = arith.constant 3 : i32
    %lt3A_1142 = vector.broadcast %lt3A_1141 : i32 to vector<16xi32>
    %lt3A_1143 = arith.cmpi slt, %get3A_1137, %lt3A_1142 : vector<16xi32>
    %and3A_1144 = arith.andi %ge3A_1140, %lt3A_1143 : vector<16xi1>
    %add3A_1145 = arith.constant 1 : i32
    %add3A_1146 = vector.broadcast %add3A_1145 : i32 to vector<16xi32>
    %add3A_1147 = arith.addi %get3A_1137, %add3A_1146 : vector<16xi32>
    %jit3A_1148 = arith.constant -1 : i32
    %broadcast_in_dim3A_1149 = vector.broadcast %jit3A_1148 : i32 to vector<16xi32>
    %select_n3A_1150 = arith.select %and3A_1144, %add3A_1147, %broadcast_in_dim3A_1149 : vector<16xi1>, vector<16xi32>
    %swap3A_1151 = arith.constant 912 : index
    %swap3A_1152 = tpu.vector_load %arg4[%swap3A_1151] {strides = array<i32>} : memref<1024xi32, #tpu.memory_space<vmem>>, vector<16xi32>,
    %swap3A_1153 = vector.shape_cast %swap3A_1152 : vector<16xi32> to vector<16xi32>
    %swap3A_1154 = vector.shape_cast %select_n3A_1150 : vector<16xi32> to vector<16xi32>
    tpu.vector_store %arg4[%swap3A_1151], %swap3A_1154 {strides = array<i32>} : memref<1024xi32, #tpu.memory_space<vmem>>, vector<16xi32>,
    %get3A_1155 = arith.constant 928 : index
    %get3A_1156 = tpu.vector_load %arg4[%get3A_1155] {strides = array<i32>} : memref<1024xi32, #tpu.memory_space<vmem>>, vector<16xi32>,
    %get3A_1157 = vector.shape_cast %get3A_1156 : vector<16xi32> to vector<16xi32>
    %ge3A_1158 = arith.constant 0 : i32
    %ge3A_1159 = vector.broadcast %ge3A_1158 : i32 to vector<16xi32>
    %ge3A_1160 = arith.cmpi sge, %get3A_1157, %ge3A_1159 : vector<16xi32>
    %lt3A_1161 = arith.constant 3 : i32
    %lt3A_1162 = vector.broadcast %lt3A_1161 : i32 to vector<16xi32>
    %lt3A_1163 = arith.cmpi slt, %get3A_1157, %lt3A_1162 : vector<16xi32>
    %and3A_1164 = arith.andi %ge3A_1160, %lt3A_1163 : vector<16xi1>
    %add3A_1165 = arith.constant 1 : i32
    %add3A_1166 = vector.broadcast %add3A_1165 : i32 to vector<16xi32>
    %add3A_1167 = arith.addi %get3A_1157, %add3A_1166 : vector<16xi32>
    %jit3A_1168 = arith.constant -1 : i32
    %broadcast_in_dim3A_1169 = vector.broadcast %jit3A_1168 : i32 to vector<16xi32>
    %select_n3A_1170 = arith.select %and3A_1164, %add3A_1167, %broadcast_in_dim3A_1169 : vector<16xi1>, vector<16xi32>
    %swap3A_1171 = arith.constant 928 : index
    %swap3A_1172 = tpu.vector_load %arg4[%swap3A_1171] {strides = array<i32>} : memref<1024xi32, #tpu.memory_space<vmem>>, vector<16xi32>,
    %swap3A_1173 = vector.shape_cast %swap3A_1172 : vector<16xi32> to vector<16xi32>
    %swap3A_1174 = vector.shape_cast %select_n3A_1170 : vector<16xi32> to vector<16xi32>
    tpu.vector_store %arg4[%swap3A_1171], %swap3A_1174 {strides = array<i32>} : memref<1024xi32, #tpu.memory_space<vmem>>, vector<16xi32>,
    %get3A_1175 = arith.constant 944 : index
    %get3A_1176 = tpu.vector_load %arg4[%get3A_1175] {strides = array<i32>} : memref<1024xi32, #tpu.memory_space<vmem>>, vector<16xi32>,
    %get3A_1177 = vector.shape_cast %get3A_1176 : vector<16xi32> to vector<16xi32>
    %ge3A_1178 = arith.constant 0 : i32
    %ge3A_1179 = vector.broadcast %ge3A_1178 : i32 to vector<16xi32>
    %ge3A_1180 = arith.cmpi sge, %get3A_1177, %ge3A_1179 : vector<16xi32>
    %lt3A_1181 = arith.constant 3 : i32
    %lt3A_1182 = vector.broadcast %lt3A_1181 : i32 to vector<16xi32>
    %lt3A_1183 = arith.cmpi slt, %get3A_1177, %lt3A_1182 : vector<16xi32>
    %and3A_1184 = arith.andi %ge3A_1180, %lt3A_1183 : vector<16xi1>
    %add3A_1185 = arith.constant 1 : i32
    %add3A_1186 = vector.broadcast %add3A_1185 : i32 to vector<16xi32>
    %add3A_1187 = arith.addi %get3A_1177, %add3A_1186 : vector<16xi32>
    %jit3A_1188 = arith.constant -1 : i32
    %broadcast_in_dim3A_1189 = vector.broadcast %jit3A_1188 : i32 to vector<16xi32>
    %select_n3A_1190 = arith.select %and3A_1184, %add3A_1187, %broadcast_in_dim3A_1189 : vector<16xi1>, vector<16xi32>
    %swap3A_1191 = arith.constant 944 : index
    %swap3A_1192 = tpu.vector_load %arg4[%swap3A_1191] {strides = array<i32>} : memref<1024xi32, #tpu.memory_space<vmem>>, vector<16xi32>,
    %swap3A_1193 = vector.shape_cast %swap3A_1192 : vector<16xi32> to vector<16xi32>
    %swap3A_1194 = vector.shape_cast %select_n3A_1190 : vector<16xi32> to vector<16xi32>
    tpu.vector_store %arg4[%swap3A_1191], %swap3A_1194 {strides = array<i32>} : memref<1024xi32, #tpu.memory_space<vmem>>, vector<16xi32>,
    %get3A_1195 = arith.constant 960 : index
    %get3A_1196 = tpu.vector_load %arg4[%get3A_1195] {strides = array<i32>} : memref<1024xi32, #tpu.memory_space<vmem>>, vector<16xi32>,
    %get3A_1197 = vector.shape_cast %get3A_1196 : vector<16xi32> to vector<16xi32>
    %ge3A_1198 = arith.constant 0 : i32
    %ge3A_1199 = vector.broadcast %ge3A_1198 : i32 to vector<16xi32>
    %ge3A_1200 = arith.cmpi sge, %get3A_1197, %ge3A_1199 : vector<16xi32>
    %lt3A_1201 = arith.constant 3 : i32
    %lt3A_1202 = vector.broadcast %lt3A_1201 : i32 to vector<16xi32>
    %lt3A_1203 = arith.cmpi slt, %get3A_1197, %lt3A_1202 : vector<16xi32>
    %and3A_1204 = arith.andi %ge3A_1200, %lt3A_1203 : vector<16xi1>
    %add3A_1205 = arith.constant 1 : i32
    %add3A_1206 = vector.broadcast %add3A_1205 : i32 to vector<16xi32>
    %add3A_1207 = arith.addi %get3A_1197, %add3A_1206 : vector<16xi32>
    %jit3A_1208 = arith.constant -1 : i32
    %broadcast_in_dim3A_1209 = vector.broadcast %jit3A_1208 : i32 to vector<16xi32>
    %select_n3A_1210 = arith.select %and3A_1204, %add3A_1207, %broadcast_in_dim3A_1209 : vector<16xi1>, vector<16xi32>
    %swap3A_1211 = arith.constant 960 : index
    %swap3A_1212 = tpu.vector_load %arg4[%swap3A_1211] {strides = array<i32>} : memref<1024xi32, #tpu.memory_space<vmem>>, vector<16xi32>,
    %swap3A_1213 = vector.shape_cast %swap3A_1212 : vector<16xi32> to vector<16xi32>
    %swap3A_1214 = vector.shape_cast %select_n3A_1210 : vector<16xi32> to vector<16xi32>
    tpu.vector_store %arg4[%swap3A_1211], %swap3A_1214 {strides = array<i32>} : memref<1024xi32, #tpu.memory_space<vmem>>, vector<16xi32>,
    %get3A_1215 = arith.constant 976 : index
    %get3A_1216 = tpu.vector_load %arg4[%get3A_1215] {strides = array<i32>} : memref<1024xi32, #tpu.memory_space<vmem>>, vector<16xi32>,
    %get3A_1217 = vector.shape_cast %get3A_1216 : vector<16xi32> to vector<16xi32>
    %ge3A_1218 = arith.constant 0 : i32
    %ge3A_1219 = vector.broadcast %ge3A_1218 : i32 to vector<16xi32>
    %ge3A_1220 = arith.cmpi sge, %get3A_1217, %ge3A_1219 : vector<16xi32>
    %lt3A_1221 = arith.constant 3 : i32
    %lt3A_1222 = vector.broadcast %lt3A_1221 : i32 to vector<16xi32>
    %lt3A_1223 = arith.cmpi slt, %get3A_1217, %lt3A_1222 : vector<16xi32>
    %and3A_1224 = arith.andi %ge3A_1220, %lt3A_1223 : vector<16xi1>
    %add3A_1225 = arith.constant 1 : i32
    %add3A_1226 = vector.broadcast %add3A_1225 : i32 to vector<16xi32>
    %add3A_1227 = arith.addi %get3A_1217, %add3A_1226 : vector<16xi32>
    %jit3A_1228 = arith.constant -1 : i32
    %broadcast_in_dim3A_1229 = vector.broadcast %jit3A_1228 : i32 to vector<16xi32>
    %select_n3A_1230 = arith.select %and3A_1224, %add3A_1227, %broadcast_in_dim3A_1229 : vector<16xi1>, vector<16xi32>
    %swap3A_1231 = arith.constant 976 : index
    %swap3A_1232 = tpu.vector_load %arg4[%swap3A_1231] {strides = array<i32>} : memref<1024xi32, #tpu.memory_space<vmem>>, vector<16xi32>,
    %swap3A_1233 = vector.shape_cast %swap3A_1232 : vector<16xi32> to vector<16xi32>
    %swap3A_1234 = vector.shape_cast %select_n3A_1230 : vector<16xi32> to vector<16xi32>
    tpu.vector_store %arg4[%swap3A_1231], %swap3A_1234 {strides = array<i32>} : memref<1024xi32, #tpu.memory_space<vmem>>, vector<16xi32>,
    %get3A_1235 = arith.constant 992 : index
    %get3A_1236 = tpu.vector_load %arg4[%get3A_1235] {strides = array<i32>} : memref<1024xi32, #tpu.memory_space<vmem>>, vector<16xi32>,
    %get3A_1237 = vector.shape_cast %get3A_1236 : vector<16xi32> to vector<16xi32>
    %ge3A_1238 = arith.constant 0 : i32
    %ge3A_1239 = vector.broadcast %ge3A_1238 : i32 to vector<16xi32>
    %ge3A_1240 = arith.cmpi sge, %get3A_1237, %ge3A_1239 : vector<16xi32>
    %lt3A_1241 = arith.constant 3 : i32
    %lt3A_1242 = vector.broadcast %lt3A_1241 : i32 to vector<16xi32>
    %lt3A_1243 = arith.cmpi slt, %get3A_1237, %lt3A_1242 : vector<16xi32>
    %and3A_1244 = arith.andi %ge3A_1240, %lt3A_1243 : vector<16xi1>
    %add3A_1245 = arith.constant 1 : i32
    %add3A_1246 = vector.broadcast %add3A_1245 : i32 to vector<16xi32>
    %add3A_1247 = arith.addi %get3A_1237, %add3A_1246 : vector<16xi32>
    %jit3A_1248 = arith.constant -1 : i32
    %broadcast_in_dim3A_1249 = vector.broadcast %jit3A_1248 : i32 to vector<16xi32>
    %select_n3A_1250 = arith.select %and3A_1244, %add3A_1247, %broadcast_in_dim3A_1249 : vector<16xi1>, vector<16xi32>
    %swap3A_1251 = arith.constant 992 : index
    %swap3A_1252 = tpu.vector_load %arg4[%swap3A_1251] {strides = array<i32>} : memref<1024xi32, #tpu.memory_space<vmem>>, vector<16xi32>,
    %swap3A_1253 = vector.shape_cast %swap3A_1252 : vector<16xi32> to vector<16xi32>
    %swap3A_1254 = vector.shape_cast %select_n3A_1250 : vector<16xi32> to vector<16xi32>
    tpu.vector_store %arg4[%swap3A_1251], %swap3A_1254 {strides = array<i32>} : memref<1024xi32, #tpu.memory_space<vmem>>, vector<16xi32>,
    %get3A_1255 = arith.constant 1008 : index
    %get3A_1256 = tpu.vector_load %arg4[%get3A_1255] {strides = array<i32>} : memref<1024xi32, #tpu.memory_space<vmem>>, vector<16xi32>,
    %get3A_1257 = vector.shape_cast %get3A_1256 : vector<16xi32> to vector<16xi32>
    %ge3A_1258 = arith.constant 0 : i32
    %ge3A_1259 = vector.broadcast %ge3A_1258 : i32 to vector<16xi32>
    %ge3A_1260 = arith.cmpi sge, %get3A_1257, %ge3A_1259 : vector<16xi32>
    %lt3A_1261 = arith.constant 3 : i32
    %lt3A_1262 = vector.broadcast %lt3A_1261 : i32 to vector<16xi32>
    %lt3A_1263 = arith.cmpi slt, %get3A_1257, %lt3A_1262 : vector<16xi32>
    %and3A_1264 = arith.andi %ge3A_1260, %lt3A_1263 : vector<16xi1>
    %add3A_1265 = arith.constant 1 : i32
    %add3A_1266 = vector.broadcast %add3A_1265 : i32 to vector<16xi32>
    %add3A_1267 = arith.addi %get3A_1257, %add3A_1266 : vector<16xi32>
    %jit3A_1268 = arith.constant -1 : i32
    %broadcast_in_dim3A_1269 = vector.broadcast %jit3A_1268 : i32 to vector<16xi32>
    %select_n3A_1270 = arith.select %and3A_1264, %add3A_1267, %broadcast_in_dim3A_1269 : vector<16xi1>, vector<16xi32>
    %swap3A_1271 = arith.constant 1008 : index
    %swap3A_1272 = tpu.vector_load %arg4[%swap3A_1271] {strides = array<i32>} : memref<1024xi32, #tpu.memory_space<vmem>>, vector<16xi32>,
    %swap3A_1273 = vector.shape_cast %swap3A_1272 : vector<16xi32> to vector<16xi32>
    %swap3A_1274 = vector.shape_cast %select_n3A_1270 : vector<16xi32> to vector<16xi32>
    tpu.vector_store %arg4[%swap3A_1271], %swap3A_1274 {strides = array<i32>} : memref<1024xi32, #tpu.memory_space<vmem>>, vector<16xi32>,
    "tpu.region"() ({
      %run_scoped3A = tpu.sem_alloc : memref<!tpu.dma_semaphore, #tpu.memory_space<semaphore_mem>>
      %dma_start3A = tpu.memref_slice %arg3[%mul3A_2] : memref<16384xi32, #tpu.memory_space<hbm>> -> memref<1024xi32, #tpu.memory_space<hbm>>
      %dma_start3A_1275 = tpu.memref_slice %arg3[%mul3A_2] : memref<16384xi32, #tpu.memory_space<hbm>> -> memref<1024xi32, #tpu.memory_space<hbm>>
      tpu.enqueue_dma source(%arg4 : memref<1024xi32, #tpu.memory_space<vmem>>) target(%dma_start3A_1275 : memref<1024xi32, #tpu.memory_space<hbm>>) target_semaphore(%run_scoped3A : memref<!tpu.dma_semaphore, #tpu.memory_space<semaphore_mem>>)
      %dma_wait3A = tpu.memref_slice %arg3[%mul3A_2] : memref<16384xi32, #tpu.memory_space<hbm>> -> memref<1024xi32, #tpu.memory_space<hbm>>
      %dma_wait3A_1276 = tpu.memref_slice %arg3[%mul3A_2] : memref<16384xi32, #tpu.memory_space<hbm>> -> memref<1024xi32, #tpu.memory_space<hbm>>
      tpu.wait_dma2 semaphore(%run_scoped3A : memref<!tpu.dma_semaphore, #tpu.memory_space<semaphore_mem>>) src(%arg4 : memref<1024xi32, #tpu.memory_space<vmem>>) dst(%dma_wait3A_1276 : memref<1024xi32, #tpu.memory_space<hbm>>)
      tpu.yield
    }) : () -> ()
    return
  }
}

</mosaic_0001>

<sc_bundles>
// kernel: kernel.3.cloned.1.call-start
scs
__scs_entry_jumppad:
0x0: {  	(pc) =	sbr.rel $0x88, $3  }
0x1: {  	(tag) =	ssettag $0x0;
	lr =	simm.s32 $0x1  }
0x2: {  	[smem:$0x3FA0] =	sst lr;
	_ =	strace $0xD0000000  }
0x3: {  	_ = 	snop  }
0x4: {  	_ = 	snop  }
0x5: {  	_ = 	snop  }
0x6: {  	_ = 	snop  }
0x7: {  	_ = 	snop  }
__scs_overlays_trampoline_lowered:
0x8: {  	[smem:$0x3FAF] =	sst s0  }
0x9: {  	[smem:$0x3FB0] =	sst s1  }
0xa: {  	[smem:$0x3FB1] =	sst s2  }
0xb: {  	[smem:$0x3FB2] =	sst s3  }
0xc: {  	[smem:$0x3FB3] =	sst s4  }
0xd: {  	[smem:$0x3FB4] =	sst s5  }
0xe: {  	[smem:$0x3FB5] =	sst s6  }
0xf: {  	[smem:$0x3FB6] =	sst s7  }
0x10: {  	[smem:$0x3FB7] =	sst s8  }
0x11: {  	[smem:$0x3FB8] =	sst s9;
	s0 =	simm.s32 @!p0 $0x0  }
0x12: {  	s1 =	sld [smem:$0x3F9E];
	s0 =	simm.s32 @p0 $0x1  }
0x13: {  	[smem:$0x3FB9] =	sst s0;
	s0 =	simm.s32 @!p1 $0x0  }
0x14: {  	s2 =	sld [smem:$0x3F9D];
	s0 =	simm.s32 @p1 $0x1  }
0x15: {  	[smem:$0x3FBA] =	sst s0;
	s0 =	simm.s32 @!p2 $0x0  }
0x16: {  	s3 =	sld [smem:$0x3FDB];
	s0 =	simm.s32 @p2 $0x1  }
0x17: {  	s4 =	simm.s32 $0x1BF5;
	[smem:$0x3FBC] =	sst s0  }
0x18: {  	s0 =	sld [smem:$0x3F9F];
	_ =	swait.ge [sflag:s4], $0x0  }
0x19: {  	s7 =	sld [smem:$0x3FA0]  }
0x1a: {  	s8 =	sadd.s32 $0xFFFFE003, lr  }
0x1b: {  	s9 =	sadd.s32 $0xFFFFFEF7, lr;
	s5 =	simm.s32 $0xFFFFFFFF;
	p2 =	slt.u32 s8, $0xFFFFF086  }
0x1c: {  	p1 =	slt.u32 s9, $0xF7A;
	s5 =	simm.s32 @!p2 $0x0  }
0x1d: {  	s5 =	simm.s32 @p1 $0x1;
	p0 =	seq.s32 s7, s2  }
0x1e: {  	s7 =	smul.u32 @!p0 $0xF7A, s2;
	p2 =	seq.s32 @!p0 s5, $0x0  }
0x1f: {  	s9 =	smul.u32 $0xF7A, s1;
	s8 =	simm.s32 @!p0 $0x1BF5;
	p2 =	por !p2, p0  }
0x20: {  	[sflag:s8] =	ssyncset.s32 @!p0 $0xFFFFF086;
	s6 =	sadd.s32 @!p0 s3, s7;
	s7 =	simm.s32 @!p0 $0x108  }
0x21: {  	s3 =	sadd.s32 s3, s9;
	s6 =	sadd.s32 @!p0 $0x88, s6;
	s7 =	simm.s32 @p2 $0x1082  }
0x22: {  	[simem:s7], [sflag:s8] =	dma.local @!p0 [hbm:s6], $0xF7A  }
0x23: {  	s9 =	sor.u32 $0xD0000000, s2;
	s6 =	simm.s32 $0x108;
	_ =	swait.ge @!p0 [sflag:s8], $0x0  }
0x24: {  	s3 =	sadd.s32 $0x88, s3;
	s6 =	simm.s32 @!p1 $0x1082;
	[sflag:s4] =	ssyncset.s32 $0xFFFFF086  }
0x25: {  	[simem:s6], [sflag:s4] =	dma.local [hbm:s3], $0xF7A  }
0x26: {  	[smem:$0x3FA0] =	sst s1;
	(tag) =	ssettag s2;
	_ =	strace s9  }
0x27: {  	s1 =	sld [smem:$0x3FB0]  }
0x28: {  	s2 =	sld [smem:$0x3FB1]  }
0x29: {  	s4 =	sld [smem:$0x3FB3]  }
0x2a: {  	p0 =	seq.s32 s5, $0x0;
	s5 =	sld [smem:$0x3FB4]  }
0x2b: {  	s6 =	sld [smem:$0x3FB5]  }
0x2c: {  	s7 =	sld [smem:$0x3FB6]  }
0x2d: {  	s3 =	simm.s32 $0x108;
	s8 =	sld [smem:$0x3FB7]  }
0x2e: {  	s3 =	simm.s32 @!p0 $0x1082;
	s9 =	sld [smem:$0x3FB8]  }
0x2f: {  	lr =	sadd.s32 s0, s3;
	s0 =	sld [smem:$0x3FAF]  }
0x30: {  	s3 =	sld [smem:$0x3FB2]  }
0x31: {  	[smem:$0x3FBB] =	sst s10  }
0x32: {  	s10 =	sld [smem:$0x3FB9];
	_ =	sdelay $0x3  }
0x33: {  	p0 =	seq.s32 s10, $0x1;
	s10 =	sld [smem:$0x3FBB];
	_ =	sdelay $0x3  }
0x34: {  	[smem:$0x3FBB] =	sst s10  }
0x35: {  	s10 =	sld [smem:$0x3FBA];
	_ =	sdelay $0x3  }
0x36: {  	p1 =	seq.s32 s10, $0x1;
	s10 =	sld [smem:$0x3FBB];
	_ =	sdelay $0x3  }
0x37: {  	[smem:$0x3FBB] =	sst s10  }
0x38: {  	s10 =	sld [smem:$0x3FBC]  }
0x39: {  	_ = 	snop;
	(pc) =	sbr.ind lr, $3  }
0x3a: {  	_ = 	snop  }
0x3b: {  	_ = 	snop  }
0x3c: {  	p2 =	seq.s32 s10, $0x1;
	s10 =	sld [smem:$0x3FBB]  }
0x3d: {  	_ =	shalt  }
0x3e: {  	_ =	shalt  }
0x3f: {  	_ =	shalt  }
0x40: {  	_ =	shalt  }
0x41: {  	_ =	shalt  }
0x42: {  	_ =	shalt  }
0x43: {  	_ =	shalt  }
0x44: {  	_ =	shalt  }
0x45: {  	_ =	shalt  }
0x46: {  	_ =	shalt  }
0x47: {  	_ =	shalt  }
0x48: {  	_ =	shalt  }
0x49: {  	_ =	shalt  }
0x4a: {  	_ =	shalt  }
0x4b: {  	_ =	shalt  }
0x4c: {  	_ =	shalt  }
0x4d: {  	_ =	shalt  }
0x4e: {  	_ =	shalt  }
0x4f: {  	_ =	shalt  }
0x50: {  	_ =	shalt  }
0x51: {  	_ =	shalt  }
0x52: {  	_ =	shalt  }
0x53: {  	_ =	shalt  }
0x54: {  	_ =	shalt  }
0x55: {  	_ =	shalt  }
0x56: {  	_ =	shalt  }
0x57: {  	_ =	shalt  }
0x58: {  	_ =	shalt  }
0x59: {  	_ =	shalt  }
0x5a: {  	_ =	shalt  }
0x5b: {  	_ =	shalt  }
0x5c: {  	_ =	shalt  }
0x5d: {  	_ =	shalt  }
0x5e: {  	_ =	shalt  }
0x5f: {  	_ =	shalt  }
0x60: {  	_ =	shalt  }
0x61: {  	_ =	shalt  }
0x62: {  	_ =	shalt  }
0x63: {  	_ =	shalt  }
0x64: {  	_ =	shalt  }
0x65: {  	_ =	shalt  }
0x66: {  	_ =	shalt  }
0x67: {  	_ =	shalt  }
0x68: {  	_ =	shalt  }
0x69: {  	_ =	shalt  }
0x6a: {  	_ =	shalt  }
0x6b: {  	_ =	shalt  }
0x6c: {  	_ =	shalt  }
0x6d: {  	_ =	shalt  }
0x6e: {  	_ =	shalt  }
0x6f: {  	_ =	shalt  }
0x70: {  	_ =	shalt  }
0x71: {  	_ =	shalt  }
0x72: {  	_ =	shalt  }
0x73: {  	_ =	shalt  }
0x74: {  	_ =	shalt  }
0x75: {  	_ =	shalt  }
0x76: {  	_ =	shalt  }
0x77: {  	_ =	shalt  }
0x78: {  	_ =	shalt  }
0x79: {  	_ =	shalt  }
0x7a: {  	_ =	shalt  }
0x7b: {  	_ =	shalt  }
0x7c: {  	_ =	shalt  }
0x7d: {  	_ =	shalt  }
0x7e: {  	_ =	shalt  }
0x7f: {  	_ =	shalt  }
0x80: {  	_ =	shalt  }
0x81: {  	_ =	shalt  }
0x82: {  	_ =	shalt  }
0x83: {  	_ =	shalt  }
0x84: {  	_ =	shalt  }
0x85: {  	_ =	shalt  }
0x86: {  	_ =	shalt  }
0x87: {  	_ =	shalt  }
.Lfunc_end0:
.L_simem_size_0:
called_computation_lowered:
.L_overlay_start_0:
0x88: {  	s0 =	sld [smem:$0x3FD9]  }
0x89: {  	s1 =	sld [smem:$0x3FFE];
	_ =	sdelay $0x3  }
0x8a: {  	s0 =	sadd.s32 s1, s0  }
0x8b: {  	[smem:$0x3FC7] =	sst s0  }
0x8c: {  	_ = 	snop  }
0x8d: {  	s0 =	sld [smem:$0x3FC9]  }
0x8e: {  	s17 =	sld [smem:$0x3FD0];
	(tm) =	ssettm $0x1  }
0x8f: {  	s2 =	sld [smem:$0x3FFB];
	_ =	sdelay $0x3  }
0x90: {  	_ =	strace s2  }
0x91: {  	s2 =	sld [smem:$0x3FFC];
	_ =	sdelay $0x3  }
0x92: {  	_ =	strace s2  }
0x93: {  	s2 =	sld [smem:$0x3FFD];
	_ =	sdelay $0x3  }
0x94: {  	_ =	strace s2  }
0x95: {  	_ =	strace $0x8FFFFFFF  }
0x96: {  	s18 =	sld [smem:$0x3FDB];
	_ =	sdelay $0x1  }
0x97: {  	s3 =	simm.s32 $_scs_section_size  }
0x98: {  	s4 =	simm.s32 $_size__tile_overlayer_lowered;
	s5 =	simm.s32 $_tile_overlayer_lowered  }
0x99: {  	s21 =	simm.s32 $0x1BFF;
	s20 =	sshll.u32 s5, $0x1;
	s2 =	sadd.s32 s3, s18  }
0x9a: {  	s6 =	simm.s32 $0x0;
	s19 =	sshll.u32 s4, $0x1;
	s4 =	sadd.s32 s20, s2  }
0x9b: {  	[timem:s6], [sflag:s21] =	dma.local [hbm:s4], s19  }
0x9c: {  	_ =	swait.ge [sflag:s21], s19  }
0x9d: {  	s3 =	ssub.s32 $0x0, s19;
	[sflag:s21] =	ssyncset.done $0x0  }
0x9e: {  	[sflag:s21] =	ssyncadd.s32 s3;
	_ =	sdelay $0x1  }
0x9f: {  	s22 =	simm.s32 $0x1B8B  }
0xa0: {  	_ =	swait.ge [sflag:s22], $0x1  }
0xa1: {  	[sflag:s22] =	ssyncset.done $0x0  }
0xa2: {  	s23 =	simm.s32 $0x1B8E;
	[sflag:s22] =	ssyncadd.s32 $0xFFFFFFFF  }
0xa3: {  	s24 =	simm.s32 $execute0_lowered;
	[smem:$0x3FD2] =	sst s23  }
0xa4: {  	s3 =	sshll.u32 s24, $0x1;
	_ =	strace $0x80000046;
	[dreg:$0x1] =	wrdreg $0xFFFFFFFF  }
0xa5: {  	s25 =	simm.s32 $_size_execute0_lowered;
	s2 =	sadd.s32 s2, s3;
	[dreg:$0x0] =	wrdreg $0x0  }
0xa6: {  	s3 =	sshll.u32 s25, $0x1;
	[dreg:$0x2] =	wrdreg s2  }
0xa7: {  	[dreg:$0x3] =	wrdreg s3  }
0xa8: {  	[dreg:$0x4] =	wrdreg $0xC0  }
0xa9: {  	_ =	task [dreg:s6], $0x5FFFF  }
0xaa: {  	[dreg:$0x1] =	wrdreg $0xFFFFFFFF  }
0xab: {  	[dreg:$0x0] =	wrdreg $0x60  }
0xac: {  	[dreg:$0x2] =	wrdreg s0  }
0xad: {  	[dreg:$0x3] =	wrdreg s17  }
0xae: {  	[dreg:$0x4] =	wrdreg $0x9  }
0xaf: {  	_ =	task.clear_ibuf [dreg:s6], $0x5FFFF;
	_ =	strace $0x90000046  }
0xb0: {  	s26 =	simm.s32 $0x9;
	_ =	strace $0x80000048  }
0xb1: {  	_ =	swait.ge [sflag:s26], $0x1  }
0xb2: {  	[sflag:s26] =	ssyncadd.s32 $0xFFFFFFFF  }
0xb3: {  	_ =	strace $0x90000048  }
0xb4: {  	_ =	sfence  }
0xb5: {  	s28 =	sld [smem:$0x0];
	_ =	sdelay $0x1  }
0xb6: {  	s29 =	srdreg.scid  }
0xb7: {  	s30 =	sshll.u32 s29, $0xD;
	s31 =	sshrl.u32 s29, $0x2  }
0xb8: {  	s1 =	sand.u32 $0x1, s29;
	s2 =	sand.u32 $0x4000, s30;
	s0 =	sadd.s32 s31, s28  }
0xb9: {  	s1 =	sor.u32 s2, s1;
	s0 =	sshll.u32 s0, $0x11  }
0xba: {  	s0 =	sor.u32 s0, s1  }
0xbb: {  	s0 =	sadd.s32 $0x8F2B, s0  }
0xbc: {  	[sflag:s0] =	ssyncadd.remote.s32 $0x1  }
0xbd: {  	_ =	sfence.sel $0xFFFF  }
0xbe: {  	[dreg:$0x0] =	wrdreg $0xFFFFFFFF;
	(pc) =	sbr.abs _section_cstart, $3  }
0xbf: {  	[dreg:$0x1] =	wrdreg $0xFFFFFFFF  }
0xc0: {  	_ =	task.clear_ibuf [dreg:s6], $0x2FFFF;
	_ =	strace $0x9FFFFFFF  }
0xc1: {  	(tm) =	ssettm $0x7FFFFFFF  }
tec
execute0_lowered:
.L_overlay_start_1:
0x0: {  	(tag) =	ssettag $0x1  }
0x1: {  	s4 =	rddreg [dreg:$0x0]  }
0x2: {  	s2 =	rddreg [dreg:$0x1]  }
0x3: {  	s0 =	rddreg [dreg:$0x2];
	s3 =	simm.s32 $0x0;
	s1 =	stileid.u32  }
0x4: {  	[smem:$0x7FF] =	sst s3;
	s5 =	sshll.u32 s1, $0x7  }
0x5: {  	s31 =	simm.s32 $0x1;
	_ =	strace $0x80000047;
	s4 =	sadd.s32 s4, s5  }
0x6: {  	[tilespmem:s3], [sflag:$0x1] =	stream.linear.gather [hbm4b:s4+s3], $0x400, $0x38;
	[tilespmem:$0x400] =	vst v63  }
0x7: {  	_ =	swait.ge [sflag:s31], $0x400  }
0x8: {  	[sflag:s31] =	ssyncset.done $0x0  }
0x9: {  	[sflag:s31] =	ssyncadd.s32 $0xFFFFFC00  }
0xa: {  	v0 =	vld [tilespmem:$0x0]  }
0xb: {  	v1 =	vld [tilespmem:$0x10]  }
0xc: {  	v2 =	vld [tilespmem:$0x20]  }
0xd: {  	v3 =	vld [tilespmem:$0x30]  }
0xe: {  	v4 =	vld [tilespmem:$0x40]  }
0xf: {  	v5 =	vld [tilespmem:$0x50];
	vm0 =	vlt.u32 v0, $0x3;
	v0 =	vadd.s32 $0x1, v0  }
0x10: {  	v6 =	vld [tilespmem:$0x60];
	vm13 =	vlt.u32 v1, $0x3;
	v1 =	vadd.s32 $0x1, v1;
	v0 =	vnsel vm0, $0xFFFFFFFF, v0  }
0x11: {  	v51 =	vld [tilespmem:$0x70];
	vm14 =	vlt.u32 v2, $0x3;
	v50 =	vadd.s32 $0x1, v2;
	v49 =	vnsel vm13, $0xFFFFFFFF, v1;
	[tilespmem:$0x0] =	vst v0  }
0x12: {  	v54 =	vld [tilespmem:$0x80];
	vm15 =	vlt.u32 v3, $0x3;
	v53 =	vadd.s32 $0x1, v3;
	v52 =	vnsel vm14, $0xFFFFFFFF, v50;
	[tilespmem:$0x10] =	vst v49  }
0x13: {  	v57 =	vld [tilespmem:$0x90];
	vm4 =	vlt.u32 v4, $0x3;
	v56 =	vadd.s32 $0x1, v4;
	v55 =	vnsel vm15, $0xFFFFFFFF, v53;
	[tilespmem:$0x20] =	vst v52  }
0x14: {  	v60 =	vld [tilespmem:$0xA0];
	vm5 =	vlt.u32 v5, $0x3;
	v59 =	vadd.s32 $0x1, v5;
	v58 =	vnsel vm4, $0xFFFFFFFF, v56;
	[tilespmem:$0x30] =	vst v55  }
0x15: {  	v63 =	vld [tilespmem:$0xB0];
	vm6 =	vlt.u32 v6, $0x3;
	v62 =	vadd.s32 $0x1, v6;
	v61 =	vnsel vm5, $0xFFFFFFFF, v59;
	[tilespmem:$0x40] =	vst v58  }
0x16: {  	v11 =	vld [tilespmem:$0xC0];
	vm7 =	vlt.u32 v51, $0x3;
	v10 =	vadd.s32 $0x1, v51;
	v9 =	vnsel vm6, $0xFFFFFFFF, v62;
	[tilespmem:$0x50] =	vst v61  }
0x17: {  	v14 =	vld [tilespmem:$0xD0];
	vm8 =	vlt.u32 v54, $0x3;
	v13 =	vadd.s32 $0x1, v54;
	v12 =	vnsel vm7, $0xFFFFFFFF, v10;
	[tilespmem:$0x60] =	vst v9  }
0x18: {  	v17 =	vld [tilespmem:$0xE0];
	vm9 =	vlt.u32 v57, $0x3;
	v16 =	vadd.s32 $0x1, v57;
	v15 =	vnsel vm8, $0xFFFFFFFF, v13;
	[tilespmem:$0x70] =	vst v12  }
0x19: {  	v20 =	vld [tilespmem:$0xF0];
	vm10 =	vlt.u32 v60, $0x3;
	v19 =	vadd.s32 $0x1, v60;
	v18 =	vnsel vm9, $0xFFFFFFFF, v16;
	[tilespmem:$0x80] =	vst v15  }
0x1a: {  	v23 =	vld [tilespmem:$0x100];
	vm11 =	vlt.u32 v63, $0x3;
	v22 =	vadd.s32 $0x1, v63;
	v21 =	vnsel vm10, $0xFFFFFFFF, v19;
	[tilespmem:$0x90] =	vst v18  }
0x1b: {  	v26 =	vld [tilespmem:$0x110];
	vm12 =	vlt.u32 v11, $0x3;
	v25 =	vadd.s32 $0x1, v11;
	v24 =	vnsel vm11, $0xFFFFFFFF, v22;
	[tilespmem:$0xA0] =	vst v21  }
0x1c: {  	v29 =	vld [tilespmem:$0x120];
	v28 =	vadd.s32 $0x1, v14;
	v27 =	vnsel vm12, $0xFFFFFFFF, v25;
	vm13 =	vlt.u32 v14, $0x3;
	[tilespmem:$0xB0] =	vst v24  }
0x1d: {  	v32 =	vld [tilespmem:$0x130];
	v31 =	vadd.s32 $0x1, v17;
	vm14 =	vlt.u32 v17, $0x3;
	[tilespmem:$0xC0] =	vst v27;
	v30 =	vnsel vm13, $0xFFFFFFFF, v28  }
0x1e: {  	v35 =	vld [tilespmem:$0x140];
	v34 =	vadd.s32 $0x1, v20;
	vm15 =	vlt.u32 v20, $0x3;
	v33 =	vnsel vm14, $0xFFFFFFFF, v31;
	[tilespmem:$0xD0] =	vst v30  }
0x1f: {  	v38 =	vld [tilespmem:$0x150];
	v37 =	vadd.s32 $0x1, v23;
	vm4 =	vlt.u32 v23, $0x3;
	v36 =	vnsel vm15, $0xFFFFFFFF, v34;
	[tilespmem:$0xE0] =	vst v33  }
0x20: {  	v41 =	vld [tilespmem:$0x160];
	v40 =	vadd.s32 $0x1, v26;
	vm5 =	vlt.u32 v26, $0x3;
	v39 =	vnsel vm4, $0xFFFFFFFF, v37;
	[tilespmem:$0xF0] =	vst v36  }
0x21: {  	v44 =	vld [tilespmem:$0x170];
	v43 =	vadd.s32 $0x1, v29;
	vm6 =	vlt.u32 v29, $0x3;
	v42 =	vnsel vm5, $0xFFFFFFFF, v40;
	[tilespmem:$0x100] =	vst v39  }
0x22: {  	v47 =	vld [tilespmem:$0x180];
	v46 =	vadd.s32 $0x1, v32;
	vm7 =	vlt.u32 v32, $0x3;
	v45 =	vnsel vm6, $0xFFFFFFFF, v43;
	[tilespmem:$0x110] =	vst v42  }
0x23: {  	vm8 =	vlt.u32 v35, $0x3;
	v50 =	vld [tilespmem:$0x190];
	v48 =	vnsel vm7, $0xFFFFFFFF, v46;
	v49 =	vadd.s32 $0x1, v35;
	[tilespmem:$0x120] =	vst v45  }
0x24: {  	vm9 =	vlt.u32 v38, $0x3;
	v53 =	vld [tilespmem:$0x1A0];
	v52 =	vadd.s32 $0x1, v38;
	[tilespmem:$0x130] =	vst v48;
	v51 =	vnsel vm8, $0xFFFFFFFF, v49  }
0x25: {  	vm10 =	vlt.u32 v41, $0x3;
	v56 =	vld [tilespmem:$0x1B0];
	v55 =	vadd.s32 $0x1, v41;
	v54 =	vnsel vm9, $0xFFFFFFFF, v52;
	[tilespmem:$0x140] =	vst v51  }
0x26: {  	vm11 =	vlt.u32 v44, $0x3;
	v59 =	vld [tilespmem:$0x1C0];
	v58 =	vadd.s32 $0x1, v44;
	v57 =	vnsel vm10, $0xFFFFFFFF, v55;
	[tilespmem:$0x150] =	vst v54  }
0x27: {  	vm12 =	vlt.u32 v47, $0x3;
	v62 =	vld [tilespmem:$0x1D0];
	v61 =	vadd.s32 $0x1, v47;
	v60 =	vnsel vm11, $0xFFFFFFFF, v58;
	[tilespmem:$0x160] =	vst v57  }
0x28: {  	v9 =	vld [tilespmem:$0x1E0];
	v63 =	vnsel vm12, $0xFFFFFFFF, v61;
	[tilespmem:$0x170] =	vst v60;
	vm13 =	vlt.u32 v50, $0x3;
	v8 =	vadd.s32 $0x1, v50  }
0x29: {  	v12 =	vld [tilespmem:$0x1F0];
	[tilespmem:$0x180] =	vst v63;
	vm14 =	vlt.u32 v53, $0x3;
	v11 =	vadd.s32 $0x1, v53;
	v10 =	vnsel vm13, $0xFFFFFFFF, v8  }
0x2a: {  	v15 =	vld [tilespmem:$0x200];
	vm15 =	vlt.u32 v56, $0x3;
	v14 =	vadd.s32 $0x1, v56;
	v13 =	vnsel vm14, $0xFFFFFFFF, v11;
	[tilespmem:$0x190] =	vst v10  }
0x2b: {  	v18 =	vld [tilespmem:$0x210];
	vm4 =	vlt.u32 v59, $0x3;
	v17 =	vadd.s32 $0x1, v59;
	v16 =	vnsel vm15, $0xFFFFFFFF, v14;
	[tilespmem:$0x1A0] =	vst v13  }
0x2c: {  	v21 =	vld [tilespmem:$0x220];
	vm5 =	vlt.u32 v62, $0x3;
	v20 =	vadd.s32 $0x1, v62;
	v19 =	vnsel vm4, $0xFFFFFFFF, v17;
	[tilespmem:$0x1B0] =	vst v16  }
0x2d: {  	v24 =	vld [tilespmem:$0x230];
	v22 =	vnsel vm5, $0xFFFFFFFF, v20;
	vm6 =	vlt.u32 v9, $0x3;
	v23 =	vadd.s32 $0x1, v9;
	[tilespmem:$0x1C0] =	vst v19  }
0x2e: {  	v27 =	vld [tilespmem:$0x240];
	vm7 =	vlt.u32 v12, $0x3;
	v26 =	vadd.s32 $0x1, v12;
	[tilespmem:$0x1D0] =	vst v22;
	v25 =	vnsel vm6, $0xFFFFFFFF, v23  }
0x2f: {  	v30 =	vld [tilespmem:$0x250];
	vm8 =	vlt.u32 v15, $0x3;
	v29 =	vadd.s32 $0x1, v15;
	v28 =	vnsel vm7, $0xFFFFFFFF, v26;
	[tilespmem:$0x1E0] =	vst v25  }
0x30: {  	v33 =	vld [tilespmem:$0x260];
	vm9 =	vlt.u32 v18, $0x3;
	v32 =	vadd.s32 $0x1, v18;
	v31 =	vnsel vm8, $0xFFFFFFFF, v29;
	[tilespmem:$0x1F0] =	vst v28  }
0x31: {  	v36 =	vld [tilespmem:$0x270];
	vm10 =	vlt.u32 v21, $0x3;
	v35 =	vadd.s32 $0x1, v21;
	v34 =	vnsel vm9, $0xFFFFFFFF, v32;
	[tilespmem:$0x200] =	vst v31  }
0x32: {  	v39 =	vld [tilespmem:$0x280];
	vm11 =	vlt.u32 v24, $0x3;
	v38 =	vadd.s32 $0x1, v24;
	v37 =	vnsel vm10, $0xFFFFFFFF, v35;
	[tilespmem:$0x210] =	vst v34  }
0x33: {  	v42 =	vld [tilespmem:$0x290];
	vm12 =	vlt.u32 v27, $0x3;
	v41 =	vadd.s32 $0x1, v27;
	v40 =	vnsel vm11, $0xFFFFFFFF, v38;
	[tilespmem:$0x220] =	vst v37  }
0x34: {  	v45 =	vld [tilespmem:$0x2A0];
	v43 =	vnsel vm12, $0xFFFFFFFF, v41;
	vm13 =	vlt.u32 v30, $0x3;
	v44 =	vadd.s32 $0x1, v30;
	[tilespmem:$0x230] =	vst v40  }
0x35: {  	v48 =	vld [tilespmem:$0x2B0];
	vm14 =	vlt.u32 v33, $0x3;
	v47 =	vadd.s32 $0x1, v33;
	[tilespmem:$0x240] =	vst v43;
	v46 =	vnsel vm13, $0xFFFFFFFF, v44  }
0x36: {  	v51 =	vld [tilespmem:$0x2C0];
	vm15 =	vlt.u32 v36, $0x3;
	v50 =	vadd.s32 $0x1, v36;
	v49 =	vnsel vm14, $0xFFFFFFFF, v47;
	[tilespmem:$0x250] =	vst v46  }
0x37: {  	v54 =	vld [tilespmem:$0x2D0];
	vm4 =	vlt.u32 v39, $0x3;
	v53 =	vadd.s32 $0x1, v39;
	v52 =	vnsel vm15, $0xFFFFFFFF, v50;
	[tilespmem:$0x260] =	vst v49  }
0x38: {  	v57 =	vld [tilespmem:$0x2E0];
	vm5 =	vlt.u32 v42, $0x3;
	v56 =	vadd.s32 $0x1, v42;
	v55 =	vnsel vm4, $0xFFFFFFFF, v53;
	[tilespmem:$0x270] =	vst v52  }
0x39: {  	v60 =	vld [tilespmem:$0x2F0];
	vm6 =	vlt.u32 v45, $0x3;
	v59 =	vadd.s32 $0x1, v45;
	v58 =	vnsel vm5, $0xFFFFFFFF, v56;
	[tilespmem:$0x280] =	vst v55  }
0x3a: {  	v63 =	vld [tilespmem:$0x300];
	vm7 =	vlt.u32 v48, $0x3;
	v62 =	vadd.s32 $0x1, v48;
	v61 =	vnsel vm6, $0xFFFFFFFF, v59;
	[tilespmem:$0x290] =	vst v58  }
0x3b: {  	v10 =	vld [tilespmem:$0x310];
	v8 =	vnsel vm7, $0xFFFFFFFF, v62;
	vm8 =	vlt.u32 v51, $0x3;
	v9 =	vadd.s32 $0x1, v51;
	[tilespmem:$0x2A0] =	vst v61  }
0x3c: {  	v13 =	vld [tilespmem:$0x320];
	vm9 =	vlt.u32 v54, $0x3;
	v12 =	vadd.s32 $0x1, v54;
	[tilespmem:$0x2B0] =	vst v8;
	v11 =	vnsel vm8, $0xFFFFFFFF, v9  }
0x3d: {  	v16 =	vld [tilespmem:$0x330];
	vm10 =	vlt.u32 v57, $0x3;
	v15 =	vadd.s32 $0x1, v57;
	v14 =	vnsel vm9, $0xFFFFFFFF, v12;
	[tilespmem:$0x2C0] =	vst v11  }
0x3e: {  	v19 =	vld [tilespmem:$0x340];
	vm11 =	vlt.u32 v60, $0x3;
	v18 =	vadd.s32 $0x1, v60;
	v17 =	vnsel vm10, $0xFFFFFFFF, v15;
	[tilespmem:$0x2D0] =	vst v14  }
0x3f: {  	v22 =	vld [tilespmem:$0x350];
	vm12 =	vlt.u32 v63, $0x3;
	v21 =	vadd.s32 $0x1, v63;
	v20 =	vnsel vm11, $0xFFFFFFFF, v18;
	[tilespmem:$0x2E0] =	vst v17  }
0x40: {  	v25 =	vld [tilespmem:$0x360];
	v23 =	vnsel vm12, $0xFFFFFFFF, v21;
	[tilespmem:$0x2F0] =	vst v20;
	vm13 =	vlt.u32 v10, $0x3;
	v24 =	vadd.s32 $0x1, v10  }
0x41: {  	v28 =	vld [tilespmem:$0x370];
	[tilespmem:$0x300] =	vst v23;
	vm14 =	vlt.u32 v13, $0x3;
	v27 =	vadd.s32 $0x1, v13;
	v26 =	vnsel vm13, $0xFFFFFFFF, v24  }
0x42: {  	v31 =	vld [tilespmem:$0x380];
	vm15 =	vlt.u32 v16, $0x3;
	v30 =	vadd.s32 $0x1, v16;
	v29 =	vnsel vm14, $0xFFFFFFFF, v27;
	[tilespmem:$0x310] =	vst v26  }
0x43: {  	v34 =	vld [tilespmem:$0x390];
	vm4 =	vlt.u32 v19, $0x3;
	v33 =	vadd.s32 $0x1, v19;
	v32 =	vnsel vm15, $0xFFFFFFFF, v30;
	[tilespmem:$0x320] =	vst v29  }
0x44: {  	v37 =	vld [tilespmem:$0x3A0];
	vm5 =	vlt.u32 v22, $0x3;
	v36 =	vadd.s32 $0x1, v22;
	v35 =	vnsel vm4, $0xFFFFFFFF, v33;
	[tilespmem:$0x330] =	vst v32  }
0x45: {  	v40 =	vld [tilespmem:$0x3B0];
	v38 =	vnsel vm5, $0xFFFFFFFF, v36;
	vm6 =	vlt.u32 v25, $0x3;
	v39 =	vadd.s32 $0x1, v25;
	[tilespmem:$0x340] =	vst v35  }
0x46: {  	v43 =	vld [tilespmem:$0x3C0];
	vm7 =	vlt.u32 v28, $0x3;
	v42 =	vadd.s32 $0x1, v28;
	[tilespmem:$0x350] =	vst v38;
	v41 =	vnsel vm6, $0xFFFFFFFF, v39  }
0x47: {  	v46 =	vld [tilespmem:$0x3D0];
	vm8 =	vlt.u32 v31, $0x3;
	v45 =	vadd.s32 $0x1, v31;
	v44 =	vnsel vm7, $0xFFFFFFFF, v42;
	[tilespmem:$0x360] =	vst v41  }
0x48: {  	v49 =	vld [tilespmem:$0x3E0];
	vm9 =	vlt.u32 v34, $0x3;
	v48 =	vadd.s32 $0x1, v34;
	v47 =	vnsel vm8, $0xFFFFFFFF, v45;
	[tilespmem:$0x370] =	vst v44  }
0x49: {  	v52 =	vld [tilespmem:$0x3F0];
	vm10 =	vlt.u32 v37, $0x3;
	v51 =	vadd.s32 $0x1, v37;
	v50 =	vnsel vm9, $0xFFFFFFFF, v48;
	[tilespmem:$0x380] =	vst v47  }
0x4a: {  	vm11 =	vlt.u32 v40, $0x3;
	v54 =	vadd.s32 $0x1, v40;
	v53 =	vnsel vm10, $0xFFFFFFFF, v51;
	[tilespmem:$0x390] =	vst v50  }
0x4b: {  	vm12 =	vlt.u32 v43, $0x3;
	v56 =	vadd.s32 $0x1, v43;
	v55 =	vnsel vm11, $0xFFFFFFFF, v54;
	[tilespmem:$0x3A0] =	vst v53  }
0x4c: {  	v57 =	vnsel vm12, $0xFFFFFFFF, v56;
	vm13 =	vlt.u32 v46, $0x3;
	v58 =	vadd.s32 $0x1, v46;
	[tilespmem:$0x3B0] =	vst v55  }
0x4d: {  	vm14 =	vlt.u32 v49, $0x3;
	v60 =	vadd.s32 $0x1, v49;
	[tilespmem:$0x3C0] =	vst v57;
	v59 =	vnsel vm13, $0xFFFFFFFF, v58  }
0x4e: {  	vm15 =	vlt.u32 v52, $0x3;
	v62 =	vadd.s32 $0x1, v52;
	v61 =	vnsel vm14, $0xFFFFFFFF, v60;
	[tilespmem:$0x3D0] =	vst v59  }
0x4f: {  	v63 =	vnsel vm15, $0xFFFFFFFF, v62;
	[tilespmem:$0x3E0] =	vst v61  }
0x50: {  	s2 =	sadd.s32 s2, s5;
	[tilespmem:$0x3F0] =	vst v63  }
0x51: {  	[hbm4b:s2+s3] =	stream.linear.scatter [tilespmem:s3], [sflag:$0x1], $0x400, $0x38;
	[tilespmem:$0x400] =	vst v63  }
0x52: {  	_ =	swait.ge [sflag:s31], $0x400  }
0x53: {  	[sflag:s31] =	ssyncset.done $0x0  }
0x54: {  	[sflag:s31] =	ssyncadd.s32 $0xFFFFFC00  }
0x55: {  	_ =	sfence.sel $0x180000  }
0x56: {  	[bflag:$0x0] =	sbarrier.arrive $0xFFFF  }
0x57: {  	p0 =	sne.s32 s1, $0x0;
	_ =	strace $0x90000047  }
0x58: {  	s0 =	sadd.s32 @!p0 $0x100000, s0;
	[bflag:$0x2] =	sbarrier.arrive $0xFFFF  }
0x59: {  	[sflag:s0] =	ssyncadd.tile.s32 @!p0 $0x1;
	_ =	shalt  }
.Lfunc_end2:
_tile_overlayer_lowered:
.L_overlay_start_2:
0x5a: {  	(tag) =	ssettag $0x2  }
0x5b: {  	s0 =	rddreg [dreg:$0x0];
	s2 =	stileid.u32  }
0x5c: {  	s1 =	rddreg [dreg:$0x1];
	p0 =	sne.s32 s2, $0x0  }
0x5d: {  	s3 =	rddreg [dreg:$0x2];
	[bflag:$0x3] =	sbarrier.arrive $0xFFFF;
	s2 =	simm.s32 @!p0 $0x1C01  }
0x5e: {  	[timem:s3], [sflag:s2] =	dma.local @!p0 [hbm:s0], s1  }
0x5f: {  	s0 =	simm.s32 @!p0 $0x1  }
0x60: {  	_ =	swait.ge @!p0 [sflag:s0], s1  }
0x61: {  	s1 =	ssub.s32 @!p0 $0x0, s1;
	[sflag:s0] =	ssyncset.done @!p0 $0x0  }
0x62: {  	[sflag:s0] =	ssyncadd.s32 @!p0 s1  }
0x63: {  	[bflag:$0x3] =	sbarrier.arrive $0xFFFF  }
0x64: {  	_ =	shalt  }

</sc_bundles>
